<compile_context>
chip_gen: v7x
topology: tpu7x:2x2x1
jax: 0.10.2.dev20260603
libtpu: 0.0.44.dev20260713+nightly
codegen_flags: <defaults>
</compile_context>

<pallas_src>
import functools

import jax
import jax.numpy as jnp
from jax import lax
from jax.experimental import pallas as pl
from jax.experimental.pallas import tpu as pltpu
from jax.experimental.pallas import tpu_sc as plsc

VOCAB = 8192
D = 8192
B = 16384
FRAC = 4
PD = D // FRAC
NC = 2
NS = 16
NW = NC * NS
BPW = B // NW
CHUNK = 8
NCH = BPW // CHUNK
NU = NCH * FRAC
NBUF = 4


def _gather_body(idx_hbm, table_hbm, out_hbm, idx_v, rows_v, gsems, ssems):
    wid = lax.axis_index("s") * NC + lax.axis_index("c")
    base = wid * BPW
    pltpu.sync_copy(idx_hbm.at[wid], idx_v)

    def gather(u, b):
        g, h = u // FRAC, u % FRAC
        return pltpu.make_async_copy(
            table_hbm.at[idx_v.at[g], pl.ds(h * PD, PD)],
            rows_v.at[b], gsems.at[b])

    def scatter(u, b):
        g, h = u // FRAC, u % FRAC
        return pltpu.make_async_copy(
            rows_v.at[b],
            out_hbm.at[pl.ds(base + g * CHUNK, CHUNK), pl.ds(h * PD, PD)],
            ssems.at[b])

    for b in range(NBUF):
        gather(b, b).start()

    def step(u, b):
        bp = (b - 1) % NBUF
        gather(u, b).wait()
        scatter(u, b).start()
        scatter(u - 1, bp).wait()
        nxt = u - 1 + NBUF

        @pl.when(nxt < NU)
        def _():
            gather(nxt, bp).start()

    gather(0, 0).wait()
    scatter(0, 0).start()

    def body(t, carry):
        for b in range(NBUF):
            step(t * NBUF + b + 1, (b + 1) % NBUF)
        return carry

    ngrp = (NU - 1) // NBUF
    lax.fori_loop(0, ngrp, body, 0)
    for i in range(NU - 1 - ngrp * NBUF):
        step(ngrp * NBUF + 1 + i, (i + 1) % NBUF)
    scatter(NU - 1, (NU - 1) % NBUF).wait()


@jax.jit
def _gather(idx_r, table):
    mesh = plsc.VectorSubcoreMesh(core_axis_name="c", subcore_axis_name="s")
    k = functools.partial(
        pl.kernel,
        mesh=mesh,
        out_type=jax.ShapeDtypeStruct((B, D), jnp.float32),
        scratch_types=[
            pltpu.VMEM((NCH, CHUNK), jnp.int32),
            pltpu.VMEM((NBUF, CHUNK, PD), jnp.float32),
            pltpu.SemaphoreType.DMA((NBUF,)),
            pltpu.SemaphoreType.DMA((NBUF,)),
        ],
    )(_gather_body)
    return k(idx_r, table)


def kernel(idx, table):
    idx_r = jnp.reshape(idx.astype(jnp.int32), (NW, NCH, CHUNK))
    return _gather(idx_r, table)

# --- scband reference (transcript-rebuilt; emitter-appended) ---
"""Pipeline reference for scband-bigram-lm-80281528697691 (READ-ONLY COPY).

The authoritative reference and input builder live on the scoring server;
editing this copy changes nothing except your own understanding.
"""

import jax, jax.numpy as jnp
import numpy as np

VOCAB = 8192
BATCH = 16384

def setup_inputs(seed: int = 0) -> dict:
    key = jax.random.key(seed)
    k_idx, k_tab = jax.random.split(key)
    idx = jax.random.randint(k_idx, (BATCH, 1), 0, VOCAB, dtype=jnp.int64 if jax.config.jax_enable_x64 else jnp.int32)
    table = jax.random.normal(k_tab, (VOCAB, VOCAB), dtype=jnp.float32) * 0.02
    return {"idx": idx, "table": table}

def reference(idx, table):
    # nn.Embedding lookup: table[idx] -> [B, 1, vocab]
    logits = jnp.take(table, idx, axis=0)
    # .squeeze(1) as in the torch forward
    logits = jnp.squeeze(logits, axis=1)
    # targets=None path: loss is None, return logits
    return logits

if __name__ == "__main__":
    import jax
    _d = setup_inputs()
    print(jax.jit(kernel)(*tuple(_d.values())))

</pallas_src>

<mosaic_0001>
#map = affine_map<(d0, d1) -> (0, 0, 0)>
#map1 = affine_map<(d0, d1) -> (0, 0)>
module attributes {stable_mosaic.version = 14 : i64} {
  func.func @_gather_body(%arg0: i32, %arg1: i32, %arg2: memref<32x64x8xi32, #tpu.memory_space<hbm>>, %arg3: memref<8192x8192xf32, #tpu.memory_space<hbm>>, %arg4: memref<16384x8192xf32, #tpu.memory_space<hbm>>, %arg5: memref<64x8xi32, #tpu.memory_space<vmem>>, %arg6: memref<4x8x2048xf32, #tpu.memory_space<vmem>>, %arg7: memref<4x!tpu.dma_semaphore, #tpu.memory_space<semaphore_mem>>, %arg8: memref<4x!tpu.dma_semaphore, #tpu.memory_space<semaphore_mem>>) attributes {dimension_semantics = [#tpu.dimension_semantics<core_parallel>, #tpu.dimension_semantics<subcore_parallel>], iteration_bounds = array<i64: 2, 16>, scalar_prefetch = 0 : i64, scratch_operands = 4 : i64, tpu.core_type = #tpu.core_type<sc_vector_subcore>, window_params = [{transform_indices = #map}, {transform_indices = #map1}, {transform_indices = #map1}]} {
    %mul3A = arith.constant 2 : i32
    %mul3A_0 = arith.muli %arg1, %mul3A : i32
    %add3A = arith.addi %mul3A_0, %arg0 : i32
    %mul3A_1 = arith.constant 512 : i32
    %mul3A_2 = arith.muli %add3A, %mul3A_1 : i32
    "tpu.region"() ({
      %run_scoped3A = tpu.sem_alloc : memref<!tpu.dma_semaphore, #tpu.memory_space<semaphore_mem>>
      %dma_start3A_270 = arith.constant 0 : i32
      %dma_start3A_271 = arith.constant 0 : i32
      %dma_start3A_272 = tpu.memref_slice %arg2[%add3A, %dma_start3A_270, %dma_start3A_271] : memref<32x64x8xi32, #tpu.memory_space<hbm>> -> memref<1x64x8xi32, #tpu.memory_space<hbm>>
      %dma_start3A_273 = tpu.memref_squeeze %dma_start3A_272 : memref<1x64x8xi32, #tpu.memory_space<hbm>> -> memref<64x8xi32, #tpu.memory_space<hbm>>
      %dma_start3A_274 = arith.constant 0 : i32
      %dma_start3A_275 = arith.constant 0 : i32
      %dma_start3A_276 = tpu.memref_slice %arg2[%add3A, %dma_start3A_274, %dma_start3A_275] : memref<32x64x8xi32, #tpu.memory_space<hbm>> -> memref<1x64x8xi32, #tpu.memory_space<hbm>>
      %dma_start3A_277 = tpu.memref_squeeze %dma_start3A_276 : memref<1x64x8xi32, #tpu.memory_space<hbm>> -> memref<64x8xi32, #tpu.memory_space<hbm>>
      tpu.enqueue_dma source(%dma_start3A_277 : memref<64x8xi32, #tpu.memory_space<hbm>>) target(%arg5 : memref<64x8xi32, #tpu.memory_space<vmem>>) target_semaphore(%run_scoped3A : memref<!tpu.dma_semaphore, #tpu.memory_space<semaphore_mem>>)
      %dma_wait3A_278 = arith.constant 0 : i32
      %dma_wait3A_279 = arith.constant 0 : i32
      %dma_wait3A_280 = tpu.memref_slice %arg2[%add3A, %dma_wait3A_278, %dma_wait3A_279] : memref<32x64x8xi32, #tpu.memory_space<hbm>> -> memref<1x64x8xi32, #tpu.memory_space<hbm>>
      %dma_wait3A_281 = tpu.memref_squeeze %dma_wait3A_280 : memref<1x64x8xi32, #tpu.memory_space<hbm>> -> memref<64x8xi32, #tpu.memory_space<hbm>>
      %dma_wait3A_282 = arith.constant 0 : i32
      %dma_wait3A_283 = arith.constant 0 : i32
      %dma_wait3A_284 = tpu.memref_slice %arg2[%add3A, %dma_wait3A_282, %dma_wait3A_283] : memref<32x64x8xi32, #tpu.memory_space<hbm>> -> memref<1x64x8xi32, #tpu.memory_space<hbm>>
      %dma_wait3A_285 = tpu.memref_squeeze %dma_wait3A_284 : memref<1x64x8xi32, #tpu.memory_space<hbm>> -> memref<64x8xi32, #tpu.memory_space<hbm>>
      tpu.wait_dma2 semaphore(%run_scoped3A : memref<!tpu.dma_semaphore, #tpu.memory_space<semaphore_mem>>) src(%dma_wait3A_285 : memref<64x8xi32, #tpu.memory_space<hbm>>) dst(%arg5 : memref<64x8xi32, #tpu.memory_space<vmem>>)
      tpu.yield
    }) : () -> ()
    %dma_start3A = arith.constant 0 : i32
    %dma_start3A_3 = arith.constant 0 : i32
    %dma_start3A_4 = arith.constant 0 : i32
    %dma_start3A_5 = arith.constant 0 : i32
    %dma_start3A_6 = arith.constant 0 : i32
    %dma_start3A_7 = tpu.memref_slice %arg6[%dma_start3A_3, %dma_start3A_5, %dma_start3A_6] : memref<4x8x2048xf32, #tpu.memory_space<vmem>> -> memref<1x8x2048xf32, #tpu.memory_space<vmem>>
    %dma_start3A_8 = tpu.memref_squeeze %dma_start3A_7 : memref<1x8x2048xf32, #tpu.memory_space<vmem>> -> memref<8x2048xf32, #tpu.memory_space<vmem>>
    %dma_start3A_9 = arith.constant 0 : i32
    %dma_start3A_10 = tpu.memref_slice %arg5[%dma_start3A, %dma_start3A_9] : memref<64x8xi32, #tpu.memory_space<vmem>> -> memref<1x8xi32, #tpu.memory_space<vmem>>
    %dma_start3A_11 = tpu.memref_squeeze %dma_start3A_10 : memref<1x8xi32, #tpu.memory_space<vmem>> -> memref<8xi32, #tpu.memory_space<vmem>>
    %dma_start3A_12 = arith.constant 0 : i32
    %dma_start3A_13 = arith.constant 0 : i32
    %dma_start3A_14 = tpu.memref_slice %arg3[%dma_start3A_12, %dma_start3A_13] : memref<8192x8192xf32, #tpu.memory_space<hbm>> -> memref<8192x2048xf32, #tpu.memory_space<hbm>>
    %dma_start3A_15 = tpu.memref_slice %arg7[%dma_start3A_4] : memref<4x!tpu.dma_semaphore, #tpu.memory_space<semaphore_mem>> -> memref<1x!tpu.dma_semaphore, #tpu.memory_space<semaphore_mem>>
    %dma_start3A_16 = tpu.memref_squeeze %dma_start3A_15 : memref<1x!tpu.dma_semaphore, #tpu.memory_space<semaphore_mem>> -> memref<!tpu.dma_semaphore, #tpu.memory_space<semaphore_mem>>
    tpu.enqueue_indirect_dma source(%dma_start3A_14 : memref<8192x2048xf32, #tpu.memory_space<hbm>>) target(%dma_start3A_8 : memref<8x2048xf32, #tpu.memory_space<vmem>>) offsets(%dma_start3A_11 : memref<8xi32, #tpu.memory_space<vmem>>) semaphore(%dma_start3A_16 : memref<!tpu.dma_semaphore, #tpu.memory_space<semaphore_mem>>)
    %dma_start3A_17 = arith.constant 0 : i32
    %dma_start3A_18 = arith.constant 1 : i32
    %dma_start3A_19 = arith.constant 1 : i32
    %dma_start3A_20 = arith.constant 0 : i32
    %dma_start3A_21 = arith.constant 0 : i32
    %dma_start3A_22 = tpu.memref_slice %arg6[%dma_start3A_18, %dma_start3A_20, %dma_start3A_21] : memref<4x8x2048xf32, #tpu.memory_space<vmem>> -> memref<1x8x2048xf32, #tpu.memory_space<vmem>>
    %dma_start3A_23 = tpu.memref_squeeze %dma_start3A_22 : memref<1x8x2048xf32, #tpu.memory_space<vmem>> -> memref<8x2048xf32, #tpu.memory_space<vmem>>
    %dma_start3A_24 = arith.constant 0 : i32
    %dma_start3A_25 = tpu.memref_slice %arg5[%dma_start3A_17, %dma_start3A_24] : memref<64x8xi32, #tpu.memory_space<vmem>> -> memref<1x8xi32, #tpu.memory_space<vmem>>
    %dma_start3A_26 = tpu.memref_squeeze %dma_start3A_25 : memref<1x8xi32, #tpu.memory_space<vmem>> -> memref<8xi32, #tpu.memory_space<vmem>>
    %dma_start3A_27 = arith.constant 0 : i32
    %dma_start3A_28 = arith.constant 2048 : i32
    %dma_start3A_29 = tpu.memref_slice %arg3[%dma_start3A_27, %dma_start3A_28] : memref<8192x8192xf32, #tpu.memory_space<hbm>> -> memref<8192x2048xf32, #tpu.memory_space<hbm>>
    %dma_start3A_30 = tpu.memref_slice %arg7[%dma_start3A_19] : memref<4x!tpu.dma_semaphore, #tpu.memory_space<semaphore_mem>> -> memref<1x!tpu.dma_semaphore, #tpu.memory_space<semaphore_mem>>
    %dma_start3A_31 = tpu.memref_squeeze %dma_start3A_30 : memref<1x!tpu.dma_semaphore, #tpu.memory_space<semaphore_mem>> -> memref<!tpu.dma_semaphore, #tpu.memory_space<semaphore_mem>>
    tpu.enqueue_indirect_dma source(%dma_start3A_29 : memref<8192x2048xf32, #tpu.memory_space<hbm>>) target(%dma_start3A_23 : memref<8x2048xf32, #tpu.memory_space<vmem>>) offsets(%dma_start3A_26 : memref<8xi32, #tpu.memory_space<vmem>>) semaphore(%dma_start3A_31 : memref<!tpu.dma_semaphore, #tpu.memory_space<semaphore_mem>>)
    %dma_start3A_32 = arith.constant 0 : i32
    %dma_start3A_33 = arith.constant 2 : i32
    %dma_start3A_34 = arith.constant 2 : i32
    %dma_start3A_35 = arith.constant 0 : i32
    %dma_start3A_36 = arith.constant 0 : i32
    %dma_start3A_37 = tpu.memref_slice %arg6[%dma_start3A_33, %dma_start3A_35, %dma_start3A_36] : memref<4x8x2048xf32, #tpu.memory_space<vmem>> -> memref<1x8x2048xf32, #tpu.memory_space<vmem>>
    %dma_start3A_38 = tpu.memref_squeeze %dma_start3A_37 : memref<1x8x2048xf32, #tpu.memory_space<vmem>> -> memref<8x2048xf32, #tpu.memory_space<vmem>>
    %dma_start3A_39 = arith.constant 0 : i32
    %dma_start3A_40 = tpu.memref_slice %arg5[%dma_start3A_32, %dma_start3A_39] : memref<64x8xi32, #tpu.memory_space<vmem>> -> memref<1x8xi32, #tpu.memory_space<vmem>>
    %dma_start3A_41 = tpu.memref_squeeze %dma_start3A_40 : memref<1x8xi32, #tpu.memory_space<vmem>> -> memref<8xi32, #tpu.memory_space<vmem>>
    %dma_start3A_42 = arith.constant 0 : i32
    %dma_start3A_43 = arith.constant 4096 : i32
    %dma_start3A_44 = tpu.memref_slice %arg3[%dma_start3A_42, %dma_start3A_43] : memref<8192x8192xf32, #tpu.memory_space<hbm>> -> memref<8192x2048xf32, #tpu.memory_space<hbm>>
    %dma_start3A_45 = tpu.memref_slice %arg7[%dma_start3A_34] : memref<4x!tpu.dma_semaphore, #tpu.memory_space<semaphore_mem>> -> memref<1x!tpu.dma_semaphore, #tpu.memory_space<semaphore_mem>>
    %dma_start3A_46 = tpu.memref_squeeze %dma_start3A_45 : memref<1x!tpu.dma_semaphore, #tpu.memory_space<semaphore_mem>> -> memref<!tpu.dma_semaphore, #tpu.memory_space<semaphore_mem>>
    tpu.enqueue_indirect_dma source(%dma_start3A_44 : memref<8192x2048xf32, #tpu.memory_space<hbm>>) target(%dma_start3A_38 : memref<8x2048xf32, #tpu.memory_space<vmem>>) offsets(%dma_start3A_41 : memref<8xi32, #tpu.memory_space<vmem>>) semaphore(%dma_start3A_46 : memref<!tpu.dma_semaphore, #tpu.memory_space<semaphore_mem>>)
    %dma_start3A_47 = arith.constant 0 : i32
    %dma_start3A_48 = arith.constant 3 : i32
    %dma_start3A_49 = arith.constant 3 : i32
    %dma_start3A_50 = arith.constant 0 : i32
    %dma_start3A_51 = arith.constant 0 : i32
    %dma_start3A_52 = tpu.memref_slice %arg6[%dma_start3A_48, %dma_start3A_50, %dma_start3A_51] : memref<4x8x2048xf32, #tpu.memory_space<vmem>> -> memref<1x8x2048xf32, #tpu.memory_space<vmem>>
    %dma_start3A_53 = tpu.memref_squeeze %dma_start3A_52 : memref<1x8x2048xf32, #tpu.memory_space<vmem>> -> memref<8x2048xf32, #tpu.memory_space<vmem>>
    %dma_start3A_54 = arith.constant 0 : i32
    %dma_start3A_55 = tpu.memref_slice %arg5[%dma_start3A_47, %dma_start3A_54] : memref<64x8xi32, #tpu.memory_space<vmem>> -> memref<1x8xi32, #tpu.memory_space<vmem>>
    %dma_start3A_56 = tpu.memref_squeeze %dma_start3A_55 : memref<1x8xi32, #tpu.memory_space<vmem>> -> memref<8xi32, #tpu.memory_space<vmem>>
    %dma_start3A_57 = arith.constant 0 : i32
    %dma_start3A_58 = arith.constant 6144 : i32
    %dma_start3A_59 = tpu.memref_slice %arg3[%dma_start3A_57, %dma_start3A_58] : memref<8192x8192xf32, #tpu.memory_space<hbm>> -> memref<8192x2048xf32, #tpu.memory_space<hbm>>
    %dma_start3A_60 = tpu.memref_slice %arg7[%dma_start3A_49] : memref<4x!tpu.dma_semaphore, #tpu.memory_space<semaphore_mem>> -> memref<1x!tpu.dma_semaphore, #tpu.memory_space<semaphore_mem>>
    %dma_start3A_61 = tpu.memref_squeeze %dma_start3A_60 : memref<1x!tpu.dma_semaphore, #tpu.memory_space<semaphore_mem>> -> memref<!tpu.dma_semaphore, #tpu.memory_space<semaphore_mem>>
    tpu.enqueue_indirect_dma source(%dma_start3A_59 : memref<8192x2048xf32, #tpu.memory_space<hbm>>) target(%dma_start3A_53 : memref<8x2048xf32, #tpu.memory_space<vmem>>) offsets(%dma_start3A_56 : memref<8xi32, #tpu.memory_space<vmem>>) semaphore(%dma_start3A_61 : memref<!tpu.dma_semaphore, #tpu.memory_space<semaphore_mem>>)
    %dma_wait3A = arith.constant 0 : i32
    %dma_wait3A_62 = arith.constant 0 : i32
    %dma_wait3A_63 = arith.constant 0 : i32
    %dma_wait3A_64 = arith.constant 0 : i32
    %dma_wait3A_65 = arith.constant 0 : i32
    %dma_wait3A_66 = tpu.memref_slice %arg6[%dma_wait3A_62, %dma_wait3A_64, %dma_wait3A_65] : memref<4x8x2048xf32, #tpu.memory_space<vmem>> -> memref<1x8x2048xf32, #tpu.memory_space<vmem>>
    %dma_wait3A_67 = tpu.memref_squeeze %dma_wait3A_66 : memref<1x8x2048xf32, #tpu.memory_space<vmem>> -> memref<8x2048xf32, #tpu.memory_space<vmem>>
    %dma_wait3A_68 = arith.constant 0 : i32
    %dma_wait3A_69 = tpu.memref_slice %arg5[%dma_wait3A, %dma_wait3A_68] : memref<64x8xi32, #tpu.memory_space<vmem>> -> memref<1x8xi32, #tpu.memory_space<vmem>>
    %dma_wait3A_70 = tpu.memref_squeeze %dma_wait3A_69 : memref<1x8xi32, #tpu.memory_space<vmem>> -> memref<8xi32, #tpu.memory_space<vmem>>
    %dma_wait3A_71 = arith.constant 0 : i32
    %dma_wait3A_72 = arith.constant 0 : i32
    %dma_wait3A_73 = tpu.memref_slice %arg3[%dma_wait3A_71, %dma_wait3A_72] : memref<8192x8192xf32, #tpu.memory_space<hbm>> -> memref<8192x2048xf32, #tpu.memory_space<hbm>>
    %dma_wait3A_74 = tpu.memref_slice %arg7[%dma_wait3A_63] : memref<4x!tpu.dma_semaphore, #tpu.memory_space<semaphore_mem>> -> memref<1x!tpu.dma_semaphore, #tpu.memory_space<semaphore_mem>>
    %dma_wait3A_75 = tpu.memref_squeeze %dma_wait3A_74 : memref<1x!tpu.dma_semaphore, #tpu.memory_space<semaphore_mem>> -> memref<!tpu.dma_semaphore, #tpu.memory_space<semaphore_mem>>
    tpu.wait_indirect_dma semaphore(%dma_wait3A_75 : memref<!tpu.dma_semaphore, #tpu.memory_space<semaphore_mem>>) src(%dma_wait3A_73 : memref<8192x2048xf32, #tpu.memory_space<hbm>>) dst(%dma_wait3A_67 : memref<8x2048xf32, #tpu.memory_space<vmem>>)
    %add3A_76 = arith.constant 0 : i32
    %add3A_77 = arith.addi %mul3A_2, %add3A_76 : i32
    %dma_start3A_78 = arith.constant 0 : i32
    %dma_start3A_79 = arith.constant 0 : i32
    %dma_start3A_80 = arith.constant 0 : i32
    %dma_start3A_81 = arith.constant 0 : i32
    %dma_start3A_82 = tpu.memref_slice %arg6[%dma_start3A_78, %dma_start3A_80, %dma_start3A_81] : memref<4x8x2048xf32, #tpu.memory_space<vmem>> -> memref<1x8x2048xf32, #tpu.memory_space<vmem>>
    %dma_start3A_83 = tpu.memref_squeeze %dma_start3A_82 : memref<1x8x2048xf32, #tpu.memory_space<vmem>> -> memref<8x2048xf32, #tpu.memory_space<vmem>>
    %dma_start3A_84 = arith.constant 0 : i32
    %dma_start3A_85 = tpu.memref_slice %arg4[%add3A_77, %dma_start3A_84] : memref<16384x8192xf32, #tpu.memory_space<hbm>> -> memref<8x2048xf32, #tpu.memory_space<hbm>>
    %dma_start3A_86 = tpu.memref_slice %arg8[%dma_start3A_79] : memref<4x!tpu.dma_semaphore, #tpu.memory_space<semaphore_mem>> -> memref<1x!tpu.dma_semaphore, #tpu.memory_space<semaphore_mem>>
    %dma_start3A_87 = tpu.memref_squeeze %dma_start3A_86 : memref<1x!tpu.dma_semaphore, #tpu.memory_space<semaphore_mem>> -> memref<!tpu.dma_semaphore, #tpu.memory_space<semaphore_mem>>
    %dma_start3A_88 = arith.constant 0 : i32
    %dma_start3A_89 = tpu.memref_slice %arg4[%add3A_77, %dma_start3A_88] : memref<16384x8192xf32, #tpu.memory_space<hbm>> -> memref<8x2048xf32, #tpu.memory_space<hbm>>
    %dma_start3A_90 = arith.constant 0 : i32
    %dma_start3A_91 = arith.constant 0 : i32
    %dma_start3A_92 = tpu.memref_slice %arg6[%dma_start3A_78, %dma_start3A_90, %dma_start3A_91] : memref<4x8x2048xf32, #tpu.memory_space<vmem>> -> memref<1x8x2048xf32, #tpu.memory_space<vmem>>
    %dma_start3A_93 = tpu.memref_squeeze %dma_start3A_92 : memref<1x8x2048xf32, #tpu.memory_space<vmem>> -> memref<8x2048xf32, #tpu.memory_space<vmem>>
    tpu.enqueue_dma source(%dma_start3A_93 : memref<8x2048xf32, #tpu.memory_space<vmem>>) target(%dma_start3A_89 : memref<8x2048xf32, #tpu.memory_space<hbm>>) target_semaphore(%dma_start3A_87 : memref<!tpu.dma_semaphore, #tpu.memory_space<semaphore_mem>>)
    %scan3A = arith.constant 0 : i32
    %scan3A_94 = arith.constant 0 : i32
    %scan3A_95 = arith.constant 63 : i32
    %scan3A_96 = arith.addi %scan3A_94, %scan3A_95 : i32
    %scan3A_97 = arith.constant 1 : i32
    scf.for %scan3A_270 = %scan3A_94 to %scan3A_96 step %scan3A_97  : i32 {
      %mul3A_271 = arith.constant 4 : i32
      %mul3A_272 = arith.muli %scan3A_270, %mul3A_271 : i32
      %add3A_273 = arith.constant 0 : i32
      %add3A_274 = arith.addi %mul3A_272, %add3A_273 : i32
      %add3A_275 = arith.constant 1 : i32
      %add3A_276 = arith.addi %add3A_274, %add3A_275 : i32
      %jit3A = arith.constant 4 : i32
      %div3A = arith.divsi %add3A_276, %jit3A : i32
      %sign3A = arith.constant 0 : i32
      %sign3A_277 = arith.cmpi sgt, %add3A_276, %sign3A : i32
      %sign3A_278 = arith.extui %sign3A_277 : i1 to i32
      %sign3A_279 = arith.constant 0 : i32
      %sign3A_280 = arith.cmpi slt, %add3A_276, %sign3A_279 : i32
      %sign3A_281 = arith.extui %sign3A_280 : i1 to i32
      %sign3A_282 = arith.subi %sign3A_278, %sign3A_281 : i32
      %sign3A_283 = arith.constant 0 : i32
      %sign3A_284 = arith.cmpi sgt, %jit3A, %sign3A_283 : i32
      %sign3A_285 = arith.extui %sign3A_284 : i1 to i32
      %sign3A_286 = arith.constant 0 : i32
      %sign3A_287 = arith.cmpi slt, %jit3A, %sign3A_286 : i32
      %sign3A_288 = arith.extui %sign3A_287 : i1 to i32
      %sign3A_289 = arith.subi %sign3A_285, %sign3A_288 : i32
      %ne3A = arith.cmpi ne, %sign3A_282, %sign3A_289 : i32
      %rem3A = arith.remsi %add3A_276, %jit3A : i32
      %ne3A_290 = arith.constant 0 : i32
      %ne3A_291 = arith.cmpi ne, %rem3A, %ne3A_290 : i32
      %and3A = arith.andi %ne3A, %ne3A_291 : i1
      %sub3A = arith.constant 1 : i32
      %sub3A_292 = arith.subi %div3A, %sub3A : i32
      %select_n3A = arith.select %and3A, %sub3A_292, %div3A : i32
      %jit3A_293 = arith.constant 4 : i32
      %eq3A = arith.constant 0 : i32
      %eq3A_294 = arith.cmpi eq, %jit3A_293, %eq3A : i32
      %jit3A_295 = arith.constant 1 : i32
      %select_n3A_296 = arith.select %eq3A_294, %jit3A_295, %jit3A_293 : i32
      %rem3A_297 = arith.remsi %add3A_276, %select_n3A_296 : i32
      %ne3A_298 = arith.constant 0 : i32
      %ne3A_299 = arith.cmpi ne, %rem3A_297, %ne3A_298 : i32
      %lt3A = arith.constant 0 : i32
      %lt3A_300 = arith.cmpi slt, %rem3A_297, %lt3A : i32
      %lt3A_301 = arith.constant 0 : i32
      %lt3A_302 = arith.cmpi slt, %select_n3A_296, %lt3A_301 : i32
      %ne3A_303 = arith.xori %lt3A_300, %lt3A_302 : i1
      %and3A_304 = arith.andi %ne3A_303, %ne3A_299 : i1
      %add3A_305 = arith.addi %rem3A_297, %select_n3A_296 : i32
      %select_n3A_306 = arith.select %and3A_304, %add3A_305, %rem3A_297 : i32
      %mul3A_307 = arith.constant 2048 : i32
      %mul3A_308 = arith.muli %select_n3A_306, %mul3A_307 : i32
      %dma_wait3A_309 = arith.constant 1 : i32
      %dma_wait3A_310 = arith.constant 1 : i32
      %dma_wait3A_311 = arith.constant 0 : i32
      %dma_wait3A_312 = arith.constant 0 : i32
      %dma_wait3A_313 = tpu.memref_slice %arg6[%dma_wait3A_309, %dma_wait3A_311, %dma_wait3A_312] : memref<4x8x2048xf32, #tpu.memory_space<vmem>> -> memref<1x8x2048xf32, #tpu.memory_space<vmem>>
      %dma_wait3A_314 = tpu.memref_squeeze %dma_wait3A_313 : memref<1x8x2048xf32, #tpu.memory_space<vmem>> -> memref<8x2048xf32, #tpu.memory_space<vmem>>
      %dma_wait3A_315 = arith.constant 0 : i32
      %dma_wait3A_316 = tpu.memref_slice %arg5[%select_n3A, %dma_wait3A_315] : memref<64x8xi32, #tpu.memory_space<vmem>> -> memref<1x8xi32, #tpu.memory_space<vmem>>
      %dma_wait3A_317 = tpu.memref_squeeze %dma_wait3A_316 : memref<1x8xi32, #tpu.memory_space<vmem>> -> memref<8xi32, #tpu.memory_space<vmem>>
      %dma_wait3A_318 = arith.constant 0 : i32
      %dma_wait3A_319 = tpu.memref_slice %arg3[%dma_wait3A_318, %mul3A_308] : memref<8192x8192xf32, #tpu.memory_space<hbm>> -> memref<8192x2048xf32, #tpu.memory_space<hbm>>
      %dma_wait3A_320 = tpu.memref_slice %arg7[%dma_wait3A_310] : memref<4x!tpu.dma_semaphore, #tpu.memory_space<semaphore_mem>> -> memref<1x!tpu.dma_semaphore, #tpu.memory_space<semaphore_mem>>
      %dma_wait3A_321 = tpu.memref_squeeze %dma_wait3A_320 : memref<1x!tpu.dma_semaphore, #tpu.memory_space<semaphore_mem>> -> memref<!tpu.dma_semaphore, #tpu.memory_space<semaphore_mem>>
      tpu.wait_indirect_dma semaphore(%dma_wait3A_321 : memref<!tpu.dma_semaphore, #tpu.memory_space<semaphore_mem>>) src(%dma_wait3A_319 : memref<8192x2048xf32, #tpu.memory_space<hbm>>) dst(%dma_wait3A_314 : memref<8x2048xf32, #tpu.memory_space<vmem>>)
      %jit3A_322 = arith.constant 4 : i32
      %div3A_323 = arith.divsi %add3A_276, %jit3A_322 : i32
      %sign3A_324 = arith.constant 0 : i32
      %sign3A_325 = arith.cmpi sgt, %add3A_276, %sign3A_324 : i32
      %sign3A_326 = arith.extui %sign3A_325 : i1 to i32
      %sign3A_327 = arith.constant 0 : i32
      %sign3A_328 = arith.cmpi slt, %add3A_276, %sign3A_327 : i32
      %sign3A_329 = arith.extui %sign3A_328 : i1 to i32
      %sign3A_330 = arith.subi %sign3A_326, %sign3A_329 : i32
      %sign3A_331 = arith.constant 0 : i32
      %sign3A_332 = arith.cmpi sgt, %jit3A_322, %sign3A_331 : i32
      %sign3A_333 = arith.extui %sign3A_332 : i1 to i32
      %sign3A_334 = arith.constant 0 : i32
      %sign3A_335 = arith.cmpi slt, %jit3A_322, %sign3A_334 : i32
      %sign3A_336 = arith.extui %sign3A_335 : i1 to i32
      %sign3A_337 = arith.subi %sign3A_333, %sign3A_336 : i32
      %ne3A_338 = arith.cmpi ne, %sign3A_330, %sign3A_337 : i32
      %rem3A_339 = arith.remsi %add3A_276, %jit3A_322 : i32
      %ne3A_340 = arith.constant 0 : i32
      %ne3A_341 = arith.cmpi ne, %rem3A_339, %ne3A_340 : i32
      %and3A_342 = arith.andi %ne3A_338, %ne3A_341 : i1
      %sub3A_343 = arith.constant 1 : i32
      %sub3A_344 = arith.subi %div3A_323, %sub3A_343 : i32
      %select_n3A_345 = arith.select %and3A_342, %sub3A_344, %div3A_323 : i32
      %jit3A_346 = arith.constant 4 : i32
      %eq3A_347 = arith.constant 0 : i32
      %eq3A_348 = arith.cmpi eq, %jit3A_346, %eq3A_347 : i32
      %jit3A_349 = arith.constant 1 : i32
      %select_n3A_350 = arith.select %eq3A_348, %jit3A_349, %jit3A_346 : i32
      %rem3A_351 = arith.remsi %add3A_276, %select_n3A_350 : i32
      %ne3A_352 = arith.constant 0 : i32
      %ne3A_353 = arith.cmpi ne, %rem3A_351, %ne3A_352 : i32
      %lt3A_354 = arith.constant 0 : i32
      %lt3A_355 = arith.cmpi slt, %rem3A_351, %lt3A_354 : i32
      %lt3A_356 = arith.constant 0 : i32
      %lt3A_357 = arith.cmpi slt, %select_n3A_350, %lt3A_356 : i32
      %ne3A_358 = arith.xori %lt3A_355, %lt3A_357 : i1
      %and3A_359 = arith.andi %ne3A_358, %ne3A_353 : i1
      %add3A_360 = arith.addi %rem3A_351, %select_n3A_350 : i32
      %select_n3A_361 = arith.select %and3A_359, %add3A_360, %rem3A_351 : i32
      %mul3A_362 = arith.constant 8 : i32
      %mul3A_363 = arith.muli %select_n3A_345, %mul3A_362 : i32
      %add3A_364 = arith.addi %mul3A_2, %mul3A_363 : i32
      %mul3A_365 = arith.constant 2048 : i32
      %mul3A_366 = arith.muli %select_n3A_361, %mul3A_365 : i32
      %dma_start3A_367 = arith.constant 1 : i32
      %dma_start3A_368 = arith.constant 1 : i32
      %dma_start3A_369 = arith.constant 0 : i32
      %dma_start3A_370 = arith.constant 0 : i32
      %dma_start3A_371 = tpu.memref_slice %arg6[%dma_start3A_367, %dma_start3A_369, %dma_start3A_370] : memref<4x8x2048xf32, #tpu.memory_space<vmem>> -> memref<1x8x2048xf32, #tpu.memory_space<vmem>>
      %dma_start3A_372 = tpu.memref_squeeze %dma_start3A_371 : memref<1x8x2048xf32, #tpu.memory_space<vmem>> -> memref<8x2048xf32, #tpu.memory_space<vmem>>
      %dma_start3A_373 = tpu.memref_slice %arg4[%add3A_364, %mul3A_366] : memref<16384x8192xf32, #tpu.memory_space<hbm>> -> memref<8x2048xf32, #tpu.memory_space<hbm>>
      %dma_start3A_374 = tpu.memref_slice %arg8[%dma_start3A_368] : memref<4x!tpu.dma_semaphore, #tpu.memory_space<semaphore_mem>> -> memref<1x!tpu.dma_semaphore, #tpu.memory_space<semaphore_mem>>
      %dma_start3A_375 = tpu.memref_squeeze %dma_start3A_374 : memref<1x!tpu.dma_semaphore, #tpu.memory_space<semaphore_mem>> -> memref<!tpu.dma_semaphore, #tpu.memory_space<semaphore_mem>>
      %dma_start3A_376 = tpu.memref_slice %arg4[%add3A_364, %mul3A_366] : memref<16384x8192xf32, #tpu.memory_space<hbm>> -> memref<8x2048xf32, #tpu.memory_space<hbm>>
      %dma_start3A_377 = arith.constant 0 : i32
      %dma_start3A_378 = arith.constant 0 : i32
      %dma_start3A_379 = tpu.memref_slice %arg6[%dma_start3A_367, %dma_start3A_377, %dma_start3A_378] : memref<4x8x2048xf32, #tpu.memory_space<vmem>> -> memref<1x8x2048xf32, #tpu.memory_space<vmem>>
      %dma_start3A_380 = tpu.memref_squeeze %dma_start3A_379 : memref<1x8x2048xf32, #tpu.memory_space<vmem>> -> memref<8x2048xf32, #tpu.memory_space<vmem>>
      tpu.enqueue_dma source(%dma_start3A_380 : memref<8x2048xf32, #tpu.memory_space<vmem>>) target(%dma_start3A_376 : memref<8x2048xf32, #tpu.memory_space<hbm>>) target_semaphore(%dma_start3A_375 : memref<!tpu.dma_semaphore, #tpu.memory_space<semaphore_mem>>)
      %sub3A_381 = arith.constant 1 : i32
      %sub3A_382 = arith.subi %add3A_276, %sub3A_381 : i32
      %jit3A_383 = arith.constant 4 : i32
      %div3A_384 = arith.divsi %sub3A_382, %jit3A_383 : i32
      %sign3A_385 = arith.constant 0 : i32
      %sign3A_386 = arith.cmpi sgt, %sub3A_382, %sign3A_385 : i32
      %sign3A_387 = arith.extui %sign3A_386 : i1 to i32
      %sign3A_388 = arith.constant 0 : i32
      %sign3A_389 = arith.cmpi slt, %sub3A_382, %sign3A_388 : i32
      %sign3A_390 = arith.extui %sign3A_389 : i1 to i32
      %sign3A_391 = arith.subi %sign3A_387, %sign3A_390 : i32
      %sign3A_392 = arith.constant 0 : i32
      %sign3A_393 = arith.cmpi sgt, %jit3A_383, %sign3A_392 : i32
      %sign3A_394 = arith.extui %sign3A_393 : i1 to i32
      %sign3A_395 = arith.constant 0 : i32
      %sign3A_396 = arith.cmpi slt, %jit3A_383, %sign3A_395 : i32
      %sign3A_397 = arith.extui %sign3A_396 : i1 to i32
      %sign3A_398 = arith.subi %sign3A_394, %sign3A_397 : i32
      %ne3A_399 = arith.cmpi ne, %sign3A_391, %sign3A_398 : i32
      %rem3A_400 = arith.remsi %sub3A_382, %jit3A_383 : i32
      %ne3A_401 = arith.constant 0 : i32
      %ne3A_402 = arith.cmpi ne, %rem3A_400, %ne3A_401 : i32
      %and3A_403 = arith.andi %ne3A_399, %ne3A_402 : i1
      %sub3A_404 = arith.constant 1 : i32
      %sub3A_405 = arith.subi %div3A_384, %sub3A_404 : i32
      %select_n3A_406 = arith.select %and3A_403, %sub3A_405, %div3A_384 : i32
      %jit3A_407 = arith.constant 4 : i32
      %eq3A_408 = arith.constant 0 : i32
      %eq3A_409 = arith.cmpi eq, %jit3A_407, %eq3A_408 : i32
      %jit3A_410 = arith.constant 1 : i32
      %select_n3A_411 = arith.select %eq3A_409, %jit3A_410, %jit3A_407 : i32
      %rem3A_412 = arith.remsi %sub3A_382, %select_n3A_411 : i32
      %ne3A_413 = arith.constant 0 : i32
      %ne3A_414 = arith.cmpi ne, %rem3A_412, %ne3A_413 : i32
      %lt3A_415 = arith.constant 0 : i32
      %lt3A_416 = arith.cmpi slt, %rem3A_412, %lt3A_415 : i32
      %lt3A_417 = arith.constant 0 : i32
      %lt3A_418 = arith.cmpi slt, %select_n3A_411, %lt3A_417 : i32
      %ne3A_419 = arith.xori %lt3A_416, %lt3A_418 : i1
      %and3A_420 = arith.andi %ne3A_419, %ne3A_414 : i1
      %add3A_421 = arith.addi %rem3A_412, %select_n3A_411 : i32
      %select_n3A_422 = arith.select %and3A_420, %add3A_421, %rem3A_412 : i32
      %mul3A_423 = arith.constant 8 : i32
      %mul3A_424 = arith.muli %select_n3A_406, %mul3A_423 : i32
      %add3A_425 = arith.addi %mul3A_2, %mul3A_424 : i32
      %mul3A_426 = arith.constant 2048 : i32
      %mul3A_427 = arith.muli %select_n3A_422, %mul3A_426 : i32
      %dma_wait3A_428 = arith.constant 0 : i32
      %dma_wait3A_429 = arith.constant 0 : i32
      %dma_wait3A_430 = arith.constant 0 : i32
      %dma_wait3A_431 = arith.constant 0 : i32
      %dma_wait3A_432 = tpu.memref_slice %arg6[%dma_wait3A_428, %dma_wait3A_430, %dma_wait3A_431] : memref<4x8x2048xf32, #tpu.memory_space<vmem>> -> memref<1x8x2048xf32, #tpu.memory_space<vmem>>
      %dma_wait3A_433 = tpu.memref_squeeze %dma_wait3A_432 : memref<1x8x2048xf32, #tpu.memory_space<vmem>> -> memref<8x2048xf32, #tpu.memory_space<vmem>>
      %dma_wait3A_434 = tpu.memref_slice %arg4[%add3A_425, %mul3A_427] : memref<16384x8192xf32, #tpu.memory_space<hbm>> -> memref<8x2048xf32, #tpu.memory_space<hbm>>
      %dma_wait3A_435 = tpu.memref_slice %arg8[%dma_wait3A_429] : memref<4x!tpu.dma_semaphore, #tpu.memory_space<semaphore_mem>> -> memref<1x!tpu.dma_semaphore, #tpu.memory_space<semaphore_mem>>
      %dma_wait3A_436 = tpu.memref_squeeze %dma_wait3A_435 : memref<1x!tpu.dma_semaphore, #tpu.memory_space<semaphore_mem>> -> memref<!tpu.dma_semaphore, #tpu.memory_space<semaphore_mem>>
      %dma_wait3A_437 = tpu.memref_slice %arg4[%add3A_425, %mul3A_427] : memref<16384x8192xf32, #tpu.memory_space<hbm>> -> memref<8x2048xf32, #tpu.memory_space<hbm>>
      %dma_wait3A_438 = arith.constant 0 : i32
      %dma_wait3A_439 = arith.constant 0 : i32
      %dma_wait3A_440 = tpu.memref_slice %arg6[%dma_wait3A_428, %dma_wait3A_438, %dma_wait3A_439] : memref<4x8x2048xf32, #tpu.memory_space<vmem>> -> memref<1x8x2048xf32, #tpu.memory_space<vmem>>
      %dma_wait3A_441 = tpu.memref_squeeze %dma_wait3A_440 : memref<1x8x2048xf32, #tpu.memory_space<vmem>> -> memref<8x2048xf32, #tpu.memory_space<vmem>>
      tpu.wait_dma2 semaphore(%dma_wait3A_436 : memref<!tpu.dma_semaphore, #tpu.memory_space<semaphore_mem>>) src(%dma_wait3A_441 : memref<8x2048xf32, #tpu.memory_space<vmem>>) dst(%dma_wait3A_437 : memref<8x2048xf32, #tpu.memory_space<hbm>>)
      %sub3A_442 = arith.constant 1 : i32
      %sub3A_443 = arith.subi %add3A_276, %sub3A_442 : i32
      %add3A_444 = arith.constant 4 : i32
      %add3A_445 = arith.addi %sub3A_443, %add3A_444 : i32
      %lt3A_446 = arith.constant 256 : i32
      %lt3A_447 = arith.cmpi slt, %add3A_445, %lt3A_446 : i32
      %convert_element_type3A = arith.extui %lt3A_447 : i1 to i32
      %cond3A = arith.constant 0 : i32
      %cond3A_448 = arith.cmpi ne, %convert_element_type3A, %cond3A : i32
      scf.if %cond3A_448 {
        %jit3A_1019 = arith.constant 4 : i32
        %div3A_1020 = arith.divsi %add3A_445, %jit3A_1019 : i32
        %sign3A_1021 = arith.constant 0 : i32
        %sign3A_1022 = arith.cmpi sgt, %add3A_445, %sign3A_1021 : i32
        %sign3A_1023 = arith.extui %sign3A_1022 : i1 to i32
        %sign3A_1024 = arith.constant 0 : i32
        %sign3A_1025 = arith.cmpi slt, %add3A_445, %sign3A_1024 : i32
        %sign3A_1026 = arith.extui %sign3A_1025 : i1 to i32
        %sign3A_1027 = arith.subi %sign3A_1023, %sign3A_1026 : i32
        %sign3A_1028 = arith.constant 0 : i32
        %sign3A_1029 = arith.cmpi sgt, %jit3A_1019, %sign3A_1028 : i32
        %sign3A_1030 = arith.extui %sign3A_1029 : i1 to i32
        %sign3A_1031 = arith.constant 0 : i32
        %sign3A_1032 = arith.cmpi slt, %jit3A_1019, %sign3A_1031 : i32
        %sign3A_1033 = arith.extui %sign3A_1032 : i1 to i32
        %sign3A_1034 = arith.subi %sign3A_1030, %sign3A_1033 : i32
        %ne3A_1035 = arith.cmpi ne, %sign3A_1027, %sign3A_1034 : i32
        %rem3A_1036 = arith.remsi %add3A_445, %jit3A_1019 : i32
        %ne3A_1037 = arith.constant 0 : i32
        %ne3A_1038 = arith.cmpi ne, %rem3A_1036, %ne3A_1037 : i32
        %and3A_1039 = arith.andi %ne3A_1035, %ne3A_1038 : i1
        %sub3A_1040 = arith.constant 1 : i32
        %sub3A_1041 = arith.subi %div3A_1020, %sub3A_1040 : i32
        %select_n3A_1042 = arith.select %and3A_1039, %sub3A_1041, %div3A_1020 : i32
        %jit3A_1043 = arith.constant 4 : i32
        %eq3A_1044 = arith.constant 0 : i32
        %eq3A_1045 = arith.cmpi eq, %jit3A_1043, %eq3A_1044 : i32
        %jit3A_1046 = arith.constant 1 : i32
        %select_n3A_1047 = arith.select %eq3A_1045, %jit3A_1046, %jit3A_1043 : i32
        %rem3A_1048 = arith.remsi %add3A_445, %select_n3A_1047 : i32
        %ne3A_1049 = arith.constant 0 : i32
        %ne3A_1050 = arith.cmpi ne, %rem3A_1048, %ne3A_1049 : i32
        %lt3A_1051 = arith.constant 0 : i32
        %lt3A_1052 = arith.cmpi slt, %rem3A_1048, %lt3A_1051 : i32
        %lt3A_1053 = arith.constant 0 : i32
        %lt3A_1054 = arith.cmpi slt, %select_n3A_1047, %lt3A_1053 : i32
        %ne3A_1055 = arith.xori %lt3A_1052, %lt3A_1054 : i1
        %and3A_1056 = arith.andi %ne3A_1055, %ne3A_1050 : i1
        %add3A_1057 = arith.addi %rem3A_1048, %select_n3A_1047 : i32
        %select_n3A_1058 = arith.select %and3A_1056, %add3A_1057, %rem3A_1048 : i32
        %mul3A_1059 = arith.constant 2048 : i32
        %mul3A_1060 = arith.muli %select_n3A_1058, %mul3A_1059 : i32
        %dma_start3A_1061 = arith.constant 0 : i32
        %dma_start3A_1062 = arith.constant 0 : i32
        %dma_start3A_1063 = arith.constant 0 : i32
        %dma_start3A_1064 = arith.constant 0 : i32
        %dma_start3A_1065 = tpu.memref_slice %arg6[%dma_start3A_1061, %dma_start3A_1063, %dma_start3A_1064] : memref<4x8x2048xf32, #tpu.memory_space<vmem>> -> memref<1x8x2048xf32, #tpu.memory_space<vmem>>
        %dma_start3A_1066 = tpu.memref_squeeze %dma_start3A_1065 : memref<1x8x2048xf32, #tpu.memory_space<vmem>> -> memref<8x2048xf32, #tpu.memory_space<vmem>>
        %dma_start3A_1067 = arith.constant 0 : i32
        %dma_start3A_1068 = tpu.memref_slice %arg5[%select_n3A_1042, %dma_start3A_1067] : memref<64x8xi32, #tpu.memory_space<vmem>> -> memref<1x8xi32, #tpu.memory_space<vmem>>
        %dma_start3A_1069 = tpu.memref_squeeze %dma_start3A_1068 : memref<1x8xi32, #tpu.memory_space<vmem>> -> memref<8xi32, #tpu.memory_space<vmem>>
        %dma_start3A_1070 = arith.constant 0 : i32
        %dma_start3A_1071 = tpu.memref_slice %arg3[%dma_start3A_1070, %mul3A_1060] : memref<8192x8192xf32, #tpu.memory_space<hbm>> -> memref<8192x2048xf32, #tpu.memory_space<hbm>>
        %dma_start3A_1072 = tpu.memref_slice %arg7[%dma_start3A_1062] : memref<4x!tpu.dma_semaphore, #tpu.memory_space<semaphore_mem>> -> memref<1x!tpu.dma_semaphore, #tpu.memory_space<semaphore_mem>>
        %dma_start3A_1073 = tpu.memref_squeeze %dma_start3A_1072 : memref<1x!tpu.dma_semaphore, #tpu.memory_space<semaphore_mem>> -> memref<!tpu.dma_semaphore, #tpu.memory_space<semaphore_mem>>
        tpu.enqueue_indirect_dma source(%dma_start3A_1071 : memref<8192x2048xf32, #tpu.memory_space<hbm>>) target(%dma_start3A_1066 : memref<8x2048xf32, #tpu.memory_space<vmem>>) offsets(%dma_start3A_1069 : memref<8xi32, #tpu.memory_space<vmem>>) semaphore(%dma_start3A_1073 : memref<!tpu.dma_semaphore, #tpu.memory_space<semaphore_mem>>)
      } else {
      }
      %mul3A_449 = arith.constant 4 : i32
      %mul3A_450 = arith.muli %scan3A_270, %mul3A_449 : i32
      %add3A_451 = arith.constant 1 : i32
      %add3A_452 = arith.addi %mul3A_450, %add3A_451 : i32
      %add3A_453 = arith.constant 1 : i32
      %add3A_454 = arith.addi %add3A_452, %add3A_453 : i32
      %jit3A_455 = arith.constant 4 : i32
      %div3A_456 = arith.divsi %add3A_454, %jit3A_455 : i32
      %sign3A_457 = arith.constant 0 : i32
      %sign3A_458 = arith.cmpi sgt, %add3A_454, %sign3A_457 : i32
      %sign3A_459 = arith.extui %sign3A_458 : i1 to i32
      %sign3A_460 = arith.constant 0 : i32
      %sign3A_461 = arith.cmpi slt, %add3A_454, %sign3A_460 : i32
      %sign3A_462 = arith.extui %sign3A_461 : i1 to i32
      %sign3A_463 = arith.subi %sign3A_459, %sign3A_462 : i32
      %sign3A_464 = arith.constant 0 : i32
      %sign3A_465 = arith.cmpi sgt, %jit3A_455, %sign3A_464 : i32
      %sign3A_466 = arith.extui %sign3A_465 : i1 to i32
      %sign3A_467 = arith.constant 0 : i32
      %sign3A_468 = arith.cmpi slt, %jit3A_455, %sign3A_467 : i32
      %sign3A_469 = arith.extui %sign3A_468 : i1 to i32
      %sign3A_470 = arith.subi %sign3A_466, %sign3A_469 : i32
      %ne3A_471 = arith.cmpi ne, %sign3A_463, %sign3A_470 : i32
      %rem3A_472 = arith.remsi %add3A_454, %jit3A_455 : i32
      %ne3A_473 = arith.constant 0 : i32
      %ne3A_474 = arith.cmpi ne, %rem3A_472, %ne3A_473 : i32
      %and3A_475 = arith.andi %ne3A_471, %ne3A_474 : i1
      %sub3A_476 = arith.constant 1 : i32
      %sub3A_477 = arith.subi %div3A_456, %sub3A_476 : i32
      %select_n3A_478 = arith.select %and3A_475, %sub3A_477, %div3A_456 : i32
      %jit3A_479 = arith.constant 4 : i32
      %eq3A_480 = arith.constant 0 : i32
      %eq3A_481 = arith.cmpi eq, %jit3A_479, %eq3A_480 : i32
      %jit3A_482 = arith.constant 1 : i32
      %select_n3A_483 = arith.select %eq3A_481, %jit3A_482, %jit3A_479 : i32
      %rem3A_484 = arith.remsi %add3A_454, %select_n3A_483 : i32
      %ne3A_485 = arith.constant 0 : i32
      %ne3A_486 = arith.cmpi ne, %rem3A_484, %ne3A_485 : i32
      %lt3A_487 = arith.constant 0 : i32
      %lt3A_488 = arith.cmpi slt, %rem3A_484, %lt3A_487 : i32
      %lt3A_489 = arith.constant 0 : i32
      %lt3A_490 = arith.cmpi slt, %select_n3A_483, %lt3A_489 : i32
      %ne3A_491 = arith.xori %lt3A_488, %lt3A_490 : i1
      %and3A_492 = arith.andi %ne3A_491, %ne3A_486 : i1
      %add3A_493 = arith.addi %rem3A_484, %select_n3A_483 : i32
      %select_n3A_494 = arith.select %and3A_492, %add3A_493, %rem3A_484 : i32
      %mul3A_495 = arith.constant 2048 : i32
      %mul3A_496 = arith.muli %select_n3A_494, %mul3A_495 : i32
      %dma_wait3A_497 = arith.constant 2 : i32
      %dma_wait3A_498 = arith.constant 2 : i32
      %dma_wait3A_499 = arith.constant 0 : i32
      %dma_wait3A_500 = arith.constant 0 : i32
      %dma_wait3A_501 = tpu.memref_slice %arg6[%dma_wait3A_497, %dma_wait3A_499, %dma_wait3A_500] : memref<4x8x2048xf32, #tpu.memory_space<vmem>> -> memref<1x8x2048xf32, #tpu.memory_space<vmem>>
      %dma_wait3A_502 = tpu.memref_squeeze %dma_wait3A_501 : memref<1x8x2048xf32, #tpu.memory_space<vmem>> -> memref<8x2048xf32, #tpu.memory_space<vmem>>
      %dma_wait3A_503 = arith.constant 0 : i32
      %dma_wait3A_504 = tpu.memref_slice %arg5[%select_n3A_478, %dma_wait3A_503] : memref<64x8xi32, #tpu.memory_space<vmem>> -> memref<1x8xi32, #tpu.memory_space<vmem>>
      %dma_wait3A_505 = tpu.memref_squeeze %dma_wait3A_504 : memref<1x8xi32, #tpu.memory_space<vmem>> -> memref<8xi32, #tpu.memory_space<vmem>>
      %dma_wait3A_506 = arith.constant 0 : i32
      %dma_wait3A_507 = tpu.memref_slice %arg3[%dma_wait3A_506, %mul3A_496] : memref<8192x8192xf32, #tpu.memory_space<hbm>> -> memref<8192x2048xf32, #tpu.memory_space<hbm>>
      %dma_wait3A_508 = tpu.memref_slice %arg7[%dma_wait3A_498] : memref<4x!tpu.dma_semaphore, #tpu.memory_space<semaphore_mem>> -> memref<1x!tpu.dma_semaphore, #tpu.memory_space<semaphore_mem>>
      %dma_wait3A_509 = tpu.memref_squeeze %dma_wait3A_508 : memref<1x!tpu.dma_semaphore, #tpu.memory_space<semaphore_mem>> -> memref<!tpu.dma_semaphore, #tpu.memory_space<semaphore_mem>>
      tpu.wait_indirect_dma semaphore(%dma_wait3A_509 : memref<!tpu.dma_semaphore, #tpu.memory_space<semaphore_mem>>) src(%dma_wait3A_507 : memref<8192x2048xf32, #tpu.memory_space<hbm>>) dst(%dma_wait3A_502 : memref<8x2048xf32, #tpu.memory_space<vmem>>)
      %jit3A_510 = arith.constant 4 : i32
      %div3A_511 = arith.divsi %add3A_454, %jit3A_510 : i32
      %sign3A_512 = arith.constant 0 : i32
      %sign3A_513 = arith.cmpi sgt, %add3A_454, %sign3A_512 : i32
      %sign3A_514 = arith.extui %sign3A_513 : i1 to i32
      %sign3A_515 = arith.constant 0 : i32
      %sign3A_516 = arith.cmpi slt, %add3A_454, %sign3A_515 : i32
      %sign3A_517 = arith.extui %sign3A_516 : i1 to i32
      %sign3A_518 = arith.subi %sign3A_514, %sign3A_517 : i32
      %sign3A_519 = arith.constant 0 : i32
      %sign3A_520 = arith.cmpi sgt, %jit3A_510, %sign3A_519 : i32
      %sign3A_521 = arith.extui %sign3A_520 : i1 to i32
      %sign3A_522 = arith.constant 0 : i32
      %sign3A_523 = arith.cmpi slt, %jit3A_510, %sign3A_522 : i32
      %sign3A_524 = arith.extui %sign3A_523 : i1 to i32
      %sign3A_525 = arith.subi %sign3A_521, %sign3A_524 : i32
      %ne3A_526 = arith.cmpi ne, %sign3A_518, %sign3A_525 : i32
      %rem3A_527 = arith.remsi %add3A_454, %jit3A_510 : i32
      %ne3A_528 = arith.constant 0 : i32
      %ne3A_529 = arith.cmpi ne, %rem3A_527, %ne3A_528 : i32
      %and3A_530 = arith.andi %ne3A_526, %ne3A_529 : i1
      %sub3A_531 = arith.constant 1 : i32
      %sub3A_532 = arith.subi %div3A_511, %sub3A_531 : i32
      %select_n3A_533 = arith.select %and3A_530, %sub3A_532, %div3A_511 : i32
      %jit3A_534 = arith.constant 4 : i32
      %eq3A_535 = arith.constant 0 : i32
      %eq3A_536 = arith.cmpi eq, %jit3A_534, %eq3A_535 : i32
      %jit3A_537 = arith.constant 1 : i32
      %select_n3A_538 = arith.select %eq3A_536, %jit3A_537, %jit3A_534 : i32
      %rem3A_539 = arith.remsi %add3A_454, %select_n3A_538 : i32
      %ne3A_540 = arith.constant 0 : i32
      %ne3A_541 = arith.cmpi ne, %rem3A_539, %ne3A_540 : i32
      %lt3A_542 = arith.constant 0 : i32
      %lt3A_543 = arith.cmpi slt, %rem3A_539, %lt3A_542 : i32
      %lt3A_544 = arith.constant 0 : i32
      %lt3A_545 = arith.cmpi slt, %select_n3A_538, %lt3A_544 : i32
      %ne3A_546 = arith.xori %lt3A_543, %lt3A_545 : i1
      %and3A_547 = arith.andi %ne3A_546, %ne3A_541 : i1
      %add3A_548 = arith.addi %rem3A_539, %select_n3A_538 : i32
      %select_n3A_549 = arith.select %and3A_547, %add3A_548, %rem3A_539 : i32
      %mul3A_550 = arith.constant 8 : i32
      %mul3A_551 = arith.muli %select_n3A_533, %mul3A_550 : i32
      %add3A_552 = arith.addi %mul3A_2, %mul3A_551 : i32
      %mul3A_553 = arith.constant 2048 : i32
      %mul3A_554 = arith.muli %select_n3A_549, %mul3A_553 : i32
      %dma_start3A_555 = arith.constant 2 : i32
      %dma_start3A_556 = arith.constant 2 : i32
      %dma_start3A_557 = arith.constant 0 : i32
      %dma_start3A_558 = arith.constant 0 : i32
      %dma_start3A_559 = tpu.memref_slice %arg6[%dma_start3A_555, %dma_start3A_557, %dma_start3A_558] : memref<4x8x2048xf32, #tpu.memory_space<vmem>> -> memref<1x8x2048xf32, #tpu.memory_space<vmem>>
      %dma_start3A_560 = tpu.memref_squeeze %dma_start3A_559 : memref<1x8x2048xf32, #tpu.memory_space<vmem>> -> memref<8x2048xf32, #tpu.memory_space<vmem>>
      %dma_start3A_561 = tpu.memref_slice %arg4[%add3A_552, %mul3A_554] : memref<16384x8192xf32, #tpu.memory_space<hbm>> -> memref<8x2048xf32, #tpu.memory_space<hbm>>
      %dma_start3A_562 = tpu.memref_slice %arg8[%dma_start3A_556] : memref<4x!tpu.dma_semaphore, #tpu.memory_space<semaphore_mem>> -> memref<1x!tpu.dma_semaphore, #tpu.memory_space<semaphore_mem>>
      %dma_start3A_563 = tpu.memref_squeeze %dma_start3A_562 : memref<1x!tpu.dma_semaphore, #tpu.memory_space<semaphore_mem>> -> memref<!tpu.dma_semaphore, #tpu.memory_space<semaphore_mem>>
      %dma_start3A_564 = tpu.memref_slice %arg4[%add3A_552, %mul3A_554] : memref<16384x8192xf32, #tpu.memory_space<hbm>> -> memref<8x2048xf32, #tpu.memory_space<hbm>>
      %dma_start3A_565 = arith.constant 0 : i32
      %dma_start3A_566 = arith.constant 0 : i32
      %dma_start3A_567 = tpu.memref_slice %arg6[%dma_start3A_555, %dma_start3A_565, %dma_start3A_566] : memref<4x8x2048xf32, #tpu.memory_space<vmem>> -> memref<1x8x2048xf32, #tpu.memory_space<vmem>>
      %dma_start3A_568 = tpu.memref_squeeze %dma_start3A_567 : memref<1x8x2048xf32, #tpu.memory_space<vmem>> -> memref<8x2048xf32, #tpu.memory_space<vmem>>
      tpu.enqueue_dma source(%dma_start3A_568 : memref<8x2048xf32, #tpu.memory_space<vmem>>) target(%dma_start3A_564 : memref<8x2048xf32, #tpu.memory_space<hbm>>) target_semaphore(%dma_start3A_563 : memref<!tpu.dma_semaphore, #tpu.memory_space<semaphore_mem>>)
      %sub3A_569 = arith.constant 1 : i32
      %sub3A_570 = arith.subi %add3A_454, %sub3A_569 : i32
      %jit3A_571 = arith.constant 4 : i32
      %div3A_572 = arith.divsi %sub3A_570, %jit3A_571 : i32
      %sign3A_573 = arith.constant 0 : i32
      %sign3A_574 = arith.cmpi sgt, %sub3A_570, %sign3A_573 : i32
      %sign3A_575 = arith.extui %sign3A_574 : i1 to i32
      %sign3A_576 = arith.constant 0 : i32
      %sign3A_577 = arith.cmpi slt, %sub3A_570, %sign3A_576 : i32
      %sign3A_578 = arith.extui %sign3A_577 : i1 to i32
      %sign3A_579 = arith.subi %sign3A_575, %sign3A_578 : i32
      %sign3A_580 = arith.constant 0 : i32
      %sign3A_581 = arith.cmpi sgt, %jit3A_571, %sign3A_580 : i32
      %sign3A_582 = arith.extui %sign3A_581 : i1 to i32
      %sign3A_583 = arith.constant 0 : i32
      %sign3A_584 = arith.cmpi slt, %jit3A_571, %sign3A_583 : i32
      %sign3A_585 = arith.extui %sign3A_584 : i1 to i32
      %sign3A_586 = arith.subi %sign3A_582, %sign3A_585 : i32
      %ne3A_587 = arith.cmpi ne, %sign3A_579, %sign3A_586 : i32
      %rem3A_588 = arith.remsi %sub3A_570, %jit3A_571 : i32
      %ne3A_589 = arith.constant 0 : i32
      %ne3A_590 = arith.cmpi ne, %rem3A_588, %ne3A_589 : i32
      %and3A_591 = arith.andi %ne3A_587, %ne3A_590 : i1
      %sub3A_592 = arith.constant 1 : i32
      %sub3A_593 = arith.subi %div3A_572, %sub3A_592 : i32
      %select_n3A_594 = arith.select %and3A_591, %sub3A_593, %div3A_572 : i32
      %jit3A_595 = arith.constant 4 : i32
      %eq3A_596 = arith.constant 0 : i32
      %eq3A_597 = arith.cmpi eq, %jit3A_595, %eq3A_596 : i32
      %jit3A_598 = arith.constant 1 : i32
      %select_n3A_599 = arith.select %eq3A_597, %jit3A_598, %jit3A_595 : i32
      %rem3A_600 = arith.remsi %sub3A_570, %select_n3A_599 : i32
      %ne3A_601 = arith.constant 0 : i32
      %ne3A_602 = arith.cmpi ne, %rem3A_600, %ne3A_601 : i32
      %lt3A_603 = arith.constant 0 : i32
      %lt3A_604 = arith.cmpi slt, %rem3A_600, %lt3A_603 : i32
      %lt3A_605 = arith.constant 0 : i32
      %lt3A_606 = arith.cmpi slt, %select_n3A_599, %lt3A_605 : i32
      %ne3A_607 = arith.xori %lt3A_604, %lt3A_606 : i1
      %and3A_608 = arith.andi %ne3A_607, %ne3A_602 : i1
      %add3A_609 = arith.addi %rem3A_600, %select_n3A_599 : i32
      %select_n3A_610 = arith.select %and3A_608, %add3A_609, %rem3A_600 : i32
      %mul3A_611 = arith.constant 8 : i32
      %mul3A_612 = arith.muli %select_n3A_594, %mul3A_611 : i32
      %add3A_613 = arith.addi %mul3A_2, %mul3A_612 : i32
      %mul3A_614 = arith.constant 2048 : i32
      %mul3A_615 = arith.muli %select_n3A_610, %mul3A_614 : i32
      %dma_wait3A_616 = arith.constant 1 : i32
      %dma_wait3A_617 = arith.constant 1 : i32
      %dma_wait3A_618 = arith.constant 0 : i32
      %dma_wait3A_619 = arith.constant 0 : i32
      %dma_wait3A_620 = tpu.memref_slice %arg6[%dma_wait3A_616, %dma_wait3A_618, %dma_wait3A_619] : memref<4x8x2048xf32, #tpu.memory_space<vmem>> -> memref<1x8x2048xf32, #tpu.memory_space<vmem>>
      %dma_wait3A_621 = tpu.memref_squeeze %dma_wait3A_620 : memref<1x8x2048xf32, #tpu.memory_space<vmem>> -> memref<8x2048xf32, #tpu.memory_space<vmem>>
      %dma_wait3A_622 = tpu.memref_slice %arg4[%add3A_613, %mul3A_615] : memref<16384x8192xf32, #tpu.memory_space<hbm>> -> memref<8x2048xf32, #tpu.memory_space<hbm>>
      %dma_wait3A_623 = tpu.memref_slice %arg8[%dma_wait3A_617] : memref<4x!tpu.dma_semaphore, #tpu.memory_space<semaphore_mem>> -> memref<1x!tpu.dma_semaphore, #tpu.memory_space<semaphore_mem>>
      %dma_wait3A_624 = tpu.memref_squeeze %dma_wait3A_623 : memref<1x!tpu.dma_semaphore, #tpu.memory_space<semaphore_mem>> -> memref<!tpu.dma_semaphore, #tpu.memory_space<semaphore_mem>>
      %dma_wait3A_625 = tpu.memref_slice %arg4[%add3A_613, %mul3A_615] : memref<16384x8192xf32, #tpu.memory_space<hbm>> -> memref<8x2048xf32, #tpu.memory_space<hbm>>
      %dma_wait3A_626 = arith.constant 0 : i32
      %dma_wait3A_627 = arith.constant 0 : i32
      %dma_wait3A_628 = tpu.memref_slice %arg6[%dma_wait3A_616, %dma_wait3A_626, %dma_wait3A_627] : memref<4x8x2048xf32, #tpu.memory_space<vmem>> -> memref<1x8x2048xf32, #tpu.memory_space<vmem>>
      %dma_wait3A_629 = tpu.memref_squeeze %dma_wait3A_628 : memref<1x8x2048xf32, #tpu.memory_space<vmem>> -> memref<8x2048xf32, #tpu.memory_space<vmem>>
      tpu.wait_dma2 semaphore(%dma_wait3A_624 : memref<!tpu.dma_semaphore, #tpu.memory_space<semaphore_mem>>) src(%dma_wait3A_629 : memref<8x2048xf32, #tpu.memory_space<vmem>>) dst(%dma_wait3A_625 : memref<8x2048xf32, #tpu.memory_space<hbm>>)
      %sub3A_630 = arith.constant 1 : i32
      %sub3A_631 = arith.subi %add3A_454, %sub3A_630 : i32
      %add3A_632 = arith.constant 4 : i32
      %add3A_633 = arith.addi %sub3A_631, %add3A_632 : i32
      %lt3A_634 = arith.constant 256 : i32
      %lt3A_635 = arith.cmpi slt, %add3A_633, %lt3A_634 : i32
      %convert_element_type3A_636 = arith.extui %lt3A_635 : i1 to i32
      %cond3A_637 = arith.constant 0 : i32
      %cond3A_638 = arith.cmpi ne, %convert_element_type3A_636, %cond3A_637 : i32
      scf.if %cond3A_638 {
        %jit3A_1019 = arith.constant 4 : i32
        %div3A_1020 = arith.divsi %add3A_633, %jit3A_1019 : i32
        %sign3A_1021 = arith.constant 0 : i32
        %sign3A_1022 = arith.cmpi sgt, %add3A_633, %sign3A_1021 : i32
        %sign3A_1023 = arith.extui %sign3A_1022 : i1 to i32
        %sign3A_1024 = arith.constant 0 : i32
        %sign3A_1025 = arith.cmpi slt, %add3A_633, %sign3A_1024 : i32
        %sign3A_1026 = arith.extui %sign3A_1025 : i1 to i32
        %sign3A_1027 = arith.subi %sign3A_1023, %sign3A_1026 : i32
        %sign3A_1028 = arith.constant 0 : i32
        %sign3A_1029 = arith.cmpi sgt, %jit3A_1019, %sign3A_1028 : i32
        %sign3A_1030 = arith.extui %sign3A_1029 : i1 to i32
        %sign3A_1031 = arith.constant 0 : i32
        %sign3A_1032 = arith.cmpi slt, %jit3A_1019, %sign3A_1031 : i32
        %sign3A_1033 = arith.extui %sign3A_1032 : i1 to i32
        %sign3A_1034 = arith.subi %sign3A_1030, %sign3A_1033 : i32
        %ne3A_1035 = arith.cmpi ne, %sign3A_1027, %sign3A_1034 : i32
        %rem3A_1036 = arith.remsi %add3A_633, %jit3A_1019 : i32
        %ne3A_1037 = arith.constant 0 : i32
        %ne3A_1038 = arith.cmpi ne, %rem3A_1036, %ne3A_1037 : i32
        %and3A_1039 = arith.andi %ne3A_1035, %ne3A_1038 : i1
        %sub3A_1040 = arith.constant 1 : i32
        %sub3A_1041 = arith.subi %div3A_1020, %sub3A_1040 : i32
        %select_n3A_1042 = arith.select %and3A_1039, %sub3A_1041, %div3A_1020 : i32
        %jit3A_1043 = arith.constant 4 : i32
        %eq3A_1044 = arith.constant 0 : i32
        %eq3A_1045 = arith.cmpi eq, %jit3A_1043, %eq3A_1044 : i32
        %jit3A_1046 = arith.constant 1 : i32
        %select_n3A_1047 = arith.select %eq3A_1045, %jit3A_1046, %jit3A_1043 : i32
        %rem3A_1048 = arith.remsi %add3A_633, %select_n3A_1047 : i32
        %ne3A_1049 = arith.constant 0 : i32
        %ne3A_1050 = arith.cmpi ne, %rem3A_1048, %ne3A_1049 : i32
        %lt3A_1051 = arith.constant 0 : i32
        %lt3A_1052 = arith.cmpi slt, %rem3A_1048, %lt3A_1051 : i32
        %lt3A_1053 = arith.constant 0 : i32
        %lt3A_1054 = arith.cmpi slt, %select_n3A_1047, %lt3A_1053 : i32
        %ne3A_1055 = arith.xori %lt3A_1052, %lt3A_1054 : i1
        %and3A_1056 = arith.andi %ne3A_1055, %ne3A_1050 : i1
        %add3A_1057 = arith.addi %rem3A_1048, %select_n3A_1047 : i32
        %select_n3A_1058 = arith.select %and3A_1056, %add3A_1057, %rem3A_1048 : i32
        %mul3A_1059 = arith.constant 2048 : i32
        %mul3A_1060 = arith.muli %select_n3A_1058, %mul3A_1059 : i32
        %dma_start3A_1061 = arith.constant 1 : i32
        %dma_start3A_1062 = arith.constant 1 : i32
        %dma_start3A_1063 = arith.constant 0 : i32
        %dma_start3A_1064 = arith.constant 0 : i32
        %dma_start3A_1065 = tpu.memref_slice %arg6[%dma_start3A_1061, %dma_start3A_1063, %dma_start3A_1064] : memref<4x8x2048xf32, #tpu.memory_space<vmem>> -> memref<1x8x2048xf32, #tpu.memory_space<vmem>>
        %dma_start3A_1066 = tpu.memref_squeeze %dma_start3A_1065 : memref<1x8x2048xf32, #tpu.memory_space<vmem>> -> memref<8x2048xf32, #tpu.memory_space<vmem>>
        %dma_start3A_1067 = arith.constant 0 : i32
        %dma_start3A_1068 = tpu.memref_slice %arg5[%select_n3A_1042, %dma_start3A_1067] : memref<64x8xi32, #tpu.memory_space<vmem>> -> memref<1x8xi32, #tpu.memory_space<vmem>>
        %dma_start3A_1069 = tpu.memref_squeeze %dma_start3A_1068 : memref<1x8xi32, #tpu.memory_space<vmem>> -> memref<8xi32, #tpu.memory_space<vmem>>
        %dma_start3A_1070 = arith.constant 0 : i32
        %dma_start3A_1071 = tpu.memref_slice %arg3[%dma_start3A_1070, %mul3A_1060] : memref<8192x8192xf32, #tpu.memory_space<hbm>> -> memref<8192x2048xf32, #tpu.memory_space<hbm>>
        %dma_start3A_1072 = tpu.memref_slice %arg7[%dma_start3A_1062] : memref<4x!tpu.dma_semaphore, #tpu.memory_space<semaphore_mem>> -> memref<1x!tpu.dma_semaphore, #tpu.memory_space<semaphore_mem>>
        %dma_start3A_1073 = tpu.memref_squeeze %dma_start3A_1072 : memref<1x!tpu.dma_semaphore, #tpu.memory_space<semaphore_mem>> -> memref<!tpu.dma_semaphore, #tpu.memory_space<semaphore_mem>>
        tpu.enqueue_indirect_dma source(%dma_start3A_1071 : memref<8192x2048xf32, #tpu.memory_space<hbm>>) target(%dma_start3A_1066 : memref<8x2048xf32, #tpu.memory_space<vmem>>) offsets(%dma_start3A_1069 : memref<8xi32, #tpu.memory_space<vmem>>) semaphore(%dma_start3A_1073 : memref<!tpu.dma_semaphore, #tpu.memory_space<semaphore_mem>>)
      } else {
      }
      %mul3A_639 = arith.constant 4 : i32
      %mul3A_640 = arith.muli %scan3A_270, %mul3A_639 : i32
      %add3A_641 = arith.constant 2 : i32
      %add3A_642 = arith.addi %mul3A_640, %add3A_641 : i32
      %add3A_643 = arith.constant 1 : i32
      %add3A_644 = arith.addi %add3A_642, %add3A_643 : i32
      %jit3A_645 = arith.constant 4 : i32
      %div3A_646 = arith.divsi %add3A_644, %jit3A_645 : i32
      %sign3A_647 = arith.constant 0 : i32
      %sign3A_648 = arith.cmpi sgt, %add3A_644, %sign3A_647 : i32
      %sign3A_649 = arith.extui %sign3A_648 : i1 to i32
      %sign3A_650 = arith.constant 0 : i32
      %sign3A_651 = arith.cmpi slt, %add3A_644, %sign3A_650 : i32
      %sign3A_652 = arith.extui %sign3A_651 : i1 to i32
      %sign3A_653 = arith.subi %sign3A_649, %sign3A_652 : i32
      %sign3A_654 = arith.constant 0 : i32
      %sign3A_655 = arith.cmpi sgt, %jit3A_645, %sign3A_654 : i32
      %sign3A_656 = arith.extui %sign3A_655 : i1 to i32
      %sign3A_657 = arith.constant 0 : i32
      %sign3A_658 = arith.cmpi slt, %jit3A_645, %sign3A_657 : i32
      %sign3A_659 = arith.extui %sign3A_658 : i1 to i32
      %sign3A_660 = arith.subi %sign3A_656, %sign3A_659 : i32
      %ne3A_661 = arith.cmpi ne, %sign3A_653, %sign3A_660 : i32
      %rem3A_662 = arith.remsi %add3A_644, %jit3A_645 : i32
      %ne3A_663 = arith.constant 0 : i32
      %ne3A_664 = arith.cmpi ne, %rem3A_662, %ne3A_663 : i32
      %and3A_665 = arith.andi %ne3A_661, %ne3A_664 : i1
      %sub3A_666 = arith.constant 1 : i32
      %sub3A_667 = arith.subi %div3A_646, %sub3A_666 : i32
      %select_n3A_668 = arith.select %and3A_665, %sub3A_667, %div3A_646 : i32
      %jit3A_669 = arith.constant 4 : i32
      %eq3A_670 = arith.constant 0 : i32
      %eq3A_671 = arith.cmpi eq, %jit3A_669, %eq3A_670 : i32
      %jit3A_672 = arith.constant 1 : i32
      %select_n3A_673 = arith.select %eq3A_671, %jit3A_672, %jit3A_669 : i32
      %rem3A_674 = arith.remsi %add3A_644, %select_n3A_673 : i32
      %ne3A_675 = arith.constant 0 : i32
      %ne3A_676 = arith.cmpi ne, %rem3A_674, %ne3A_675 : i32
      %lt3A_677 = arith.constant 0 : i32
      %lt3A_678 = arith.cmpi slt, %rem3A_674, %lt3A_677 : i32
      %lt3A_679 = arith.constant 0 : i32
      %lt3A_680 = arith.cmpi slt, %select_n3A_673, %lt3A_679 : i32
      %ne3A_681 = arith.xori %lt3A_678, %lt3A_680 : i1
      %and3A_682 = arith.andi %ne3A_681, %ne3A_676 : i1
      %add3A_683 = arith.addi %rem3A_674, %select_n3A_673 : i32
      %select_n3A_684 = arith.select %and3A_682, %add3A_683, %rem3A_674 : i32
      %mul3A_685 = arith.constant 2048 : i32
      %mul3A_686 = arith.muli %select_n3A_684, %mul3A_685 : i32
      %dma_wait3A_687 = arith.constant 3 : i32
      %dma_wait3A_688 = arith.constant 3 : i32
      %dma_wait3A_689 = arith.constant 0 : i32
      %dma_wait3A_690 = arith.constant 0 : i32
      %dma_wait3A_691 = tpu.memref_slice %arg6[%dma_wait3A_687, %dma_wait3A_689, %dma_wait3A_690] : memref<4x8x2048xf32, #tpu.memory_space<vmem>> -> memref<1x8x2048xf32, #tpu.memory_space<vmem>>
      %dma_wait3A_692 = tpu.memref_squeeze %dma_wait3A_691 : memref<1x8x2048xf32, #tpu.memory_space<vmem>> -> memref<8x2048xf32, #tpu.memory_space<vmem>>
      %dma_wait3A_693 = arith.constant 0 : i32
      %dma_wait3A_694 = tpu.memref_slice %arg5[%select_n3A_668, %dma_wait3A_693] : memref<64x8xi32, #tpu.memory_space<vmem>> -> memref<1x8xi32, #tpu.memory_space<vmem>>
      %dma_wait3A_695 = tpu.memref_squeeze %dma_wait3A_694 : memref<1x8xi32, #tpu.memory_space<vmem>> -> memref<8xi32, #tpu.memory_space<vmem>>
      %dma_wait3A_696 = arith.constant 0 : i32
      %dma_wait3A_697 = tpu.memref_slice %arg3[%dma_wait3A_696, %mul3A_686] : memref<8192x8192xf32, #tpu.memory_space<hbm>> -> memref<8192x2048xf32, #tpu.memory_space<hbm>>
      %dma_wait3A_698 = tpu.memref_slice %arg7[%dma_wait3A_688] : memref<4x!tpu.dma_semaphore, #tpu.memory_space<semaphore_mem>> -> memref<1x!tpu.dma_semaphore, #tpu.memory_space<semaphore_mem>>
      %dma_wait3A_699 = tpu.memref_squeeze %dma_wait3A_698 : memref<1x!tpu.dma_semaphore, #tpu.memory_space<semaphore_mem>> -> memref<!tpu.dma_semaphore, #tpu.memory_space<semaphore_mem>>
      tpu.wait_indirect_dma semaphore(%dma_wait3A_699 : memref<!tpu.dma_semaphore, #tpu.memory_space<semaphore_mem>>) src(%dma_wait3A_697 : memref<8192x2048xf32, #tpu.memory_space<hbm>>) dst(%dma_wait3A_692 : memref<8x2048xf32, #tpu.memory_space<vmem>>)
      %jit3A_700 = arith.constant 4 : i32
      %div3A_701 = arith.divsi %add3A_644, %jit3A_700 : i32
      %sign3A_702 = arith.constant 0 : i32
      %sign3A_703 = arith.cmpi sgt, %add3A_644, %sign3A_702 : i32
      %sign3A_704 = arith.extui %sign3A_703 : i1 to i32
      %sign3A_705 = arith.constant 0 : i32
      %sign3A_706 = arith.cmpi slt, %add3A_644, %sign3A_705 : i32
      %sign3A_707 = arith.extui %sign3A_706 : i1 to i32
      %sign3A_708 = arith.subi %sign3A_704, %sign3A_707 : i32
      %sign3A_709 = arith.constant 0 : i32
      %sign3A_710 = arith.cmpi sgt, %jit3A_700, %sign3A_709 : i32
      %sign3A_711 = arith.extui %sign3A_710 : i1 to i32
      %sign3A_712 = arith.constant 0 : i32
      %sign3A_713 = arith.cmpi slt, %jit3A_700, %sign3A_712 : i32
      %sign3A_714 = arith.extui %sign3A_713 : i1 to i32
      %sign3A_715 = arith.subi %sign3A_711, %sign3A_714 : i32
      %ne3A_716 = arith.cmpi ne, %sign3A_708, %sign3A_715 : i32
      %rem3A_717 = arith.remsi %add3A_644, %jit3A_700 : i32
      %ne3A_718 = arith.constant 0 : i32
      %ne3A_719 = arith.cmpi ne, %rem3A_717, %ne3A_718 : i32
      %and3A_720 = arith.andi %ne3A_716, %ne3A_719 : i1
      %sub3A_721 = arith.constant 1 : i32
      %sub3A_722 = arith.subi %div3A_701, %sub3A_721 : i32
      %select_n3A_723 = arith.select %and3A_720, %sub3A_722, %div3A_701 : i32
      %jit3A_724 = arith.constant 4 : i32
      %eq3A_725 = arith.constant 0 : i32
      %eq3A_726 = arith.cmpi eq, %jit3A_724, %eq3A_725 : i32
      %jit3A_727 = arith.constant 1 : i32
      %select_n3A_728 = arith.select %eq3A_726, %jit3A_727, %jit3A_724 : i32
      %rem3A_729 = arith.remsi %add3A_644, %select_n3A_728 : i32
      %ne3A_730 = arith.constant 0 : i32
      %ne3A_731 = arith.cmpi ne, %rem3A_729, %ne3A_730 : i32
      %lt3A_732 = arith.constant 0 : i32
      %lt3A_733 = arith.cmpi slt, %rem3A_729, %lt3A_732 : i32
      %lt3A_734 = arith.constant 0 : i32
      %lt3A_735 = arith.cmpi slt, %select_n3A_728, %lt3A_734 : i32
      %ne3A_736 = arith.xori %lt3A_733, %lt3A_735 : i1
      %and3A_737 = arith.andi %ne3A_736, %ne3A_731 : i1
      %add3A_738 = arith.addi %rem3A_729, %select_n3A_728 : i32
      %select_n3A_739 = arith.select %and3A_737, %add3A_738, %rem3A_729 : i32
      %mul3A_740 = arith.constant 8 : i32
      %mul3A_741 = arith.muli %select_n3A_723, %mul3A_740 : i32
      %add3A_742 = arith.addi %mul3A_2, %mul3A_741 : i32
      %mul3A_743 = arith.constant 2048 : i32
      %mul3A_744 = arith.muli %select_n3A_739, %mul3A_743 : i32
      %dma_start3A_745 = arith.constant 3 : i32
      %dma_start3A_746 = arith.constant 3 : i32
      %dma_start3A_747 = arith.constant 0 : i32
      %dma_start3A_748 = arith.constant 0 : i32
      %dma_start3A_749 = tpu.memref_slice %arg6[%dma_start3A_745, %dma_start3A_747, %dma_start3A_748] : memref<4x8x2048xf32, #tpu.memory_space<vmem>> -> memref<1x8x2048xf32, #tpu.memory_space<vmem>>
      %dma_start3A_750 = tpu.memref_squeeze %dma_start3A_749 : memref<1x8x2048xf32, #tpu.memory_space<vmem>> -> memref<8x2048xf32, #tpu.memory_space<vmem>>
      %dma_start3A_751 = tpu.memref_slice %arg4[%add3A_742, %mul3A_744] : memref<16384x8192xf32, #tpu.memory_space<hbm>> -> memref<8x2048xf32, #tpu.memory_space<hbm>>
      %dma_start3A_752 = tpu.memref_slice %arg8[%dma_start3A_746] : memref<4x!tpu.dma_semaphore, #tpu.memory_space<semaphore_mem>> -> memref<1x!tpu.dma_semaphore, #tpu.memory_space<semaphore_mem>>
      %dma_start3A_753 = tpu.memref_squeeze %dma_start3A_752 : memref<1x!tpu.dma_semaphore, #tpu.memory_space<semaphore_mem>> -> memref<!tpu.dma_semaphore, #tpu.memory_space<semaphore_mem>>
      %dma_start3A_754 = tpu.memref_slice %arg4[%add3A_742, %mul3A_744] : memref<16384x8192xf32, #tpu.memory_space<hbm>> -> memref<8x2048xf32, #tpu.memory_space<hbm>>
      %dma_start3A_755 = arith.constant 0 : i32
      %dma_start3A_756 = arith.constant 0 : i32
      %dma_start3A_757 = tpu.memref_slice %arg6[%dma_start3A_745, %dma_start3A_755, %dma_start3A_756] : memref<4x8x2048xf32, #tpu.memory_space<vmem>> -> memref<1x8x2048xf32, #tpu.memory_space<vmem>>
      %dma_start3A_758 = tpu.memref_squeeze %dma_start3A_757 : memref<1x8x2048xf32, #tpu.memory_space<vmem>> -> memref<8x2048xf32, #tpu.memory_space<vmem>>
      tpu.enqueue_dma source(%dma_start3A_758 : memref<8x2048xf32, #tpu.memory_space<vmem>>) target(%dma_start3A_754 : memref<8x2048xf32, #tpu.memory_space<hbm>>) target_semaphore(%dma_start3A_753 : memref<!tpu.dma_semaphore, #tpu.memory_space<semaphore_mem>>)
      %sub3A_759 = arith.constant 1 : i32
      %sub3A_760 = arith.subi %add3A_644, %sub3A_759 : i32
      %jit3A_761 = arith.constant 4 : i32
      %div3A_762 = arith.divsi %sub3A_760, %jit3A_761 : i32
      %sign3A_763 = arith.constant 0 : i32
      %sign3A_764 = arith.cmpi sgt, %sub3A_760, %sign3A_763 : i32
      %sign3A_765 = arith.extui %sign3A_764 : i1 to i32
      %sign3A_766 = arith.constant 0 : i32
      %sign3A_767 = arith.cmpi slt, %sub3A_760, %sign3A_766 : i32
      %sign3A_768 = arith.extui %sign3A_767 : i1 to i32
      %sign3A_769 = arith.subi %sign3A_765, %sign3A_768 : i32
      %sign3A_770 = arith.constant 0 : i32
      %sign3A_771 = arith.cmpi sgt, %jit3A_761, %sign3A_770 : i32
      %sign3A_772 = arith.extui %sign3A_771 : i1 to i32
      %sign3A_773 = arith.constant 0 : i32
      %sign3A_774 = arith.cmpi slt, %jit3A_761, %sign3A_773 : i32
      %sign3A_775 = arith.extui %sign3A_774 : i1 to i32
      %sign3A_776 = arith.subi %sign3A_772, %sign3A_775 : i32
      %ne3A_777 = arith.cmpi ne, %sign3A_769, %sign3A_776 : i32
      %rem3A_778 = arith.remsi %sub3A_760, %jit3A_761 : i32
      %ne3A_779 = arith.constant 0 : i32
      %ne3A_780 = arith.cmpi ne, %rem3A_778, %ne3A_779 : i32
      %and3A_781 = arith.andi %ne3A_777, %ne3A_780 : i1
      %sub3A_782 = arith.constant 1 : i32
      %sub3A_783 = arith.subi %div3A_762, %sub3A_782 : i32
      %select_n3A_784 = arith.select %and3A_781, %sub3A_783, %div3A_762 : i32
      %jit3A_785 = arith.constant 4 : i32
      %eq3A_786 = arith.constant 0 : i32
      %eq3A_787 = arith.cmpi eq, %jit3A_785, %eq3A_786 : i32
      %jit3A_788 = arith.constant 1 : i32
      %select_n3A_789 = arith.select %eq3A_787, %jit3A_788, %jit3A_785 : i32
      %rem3A_790 = arith.remsi %sub3A_760, %select_n3A_789 : i32
      %ne3A_791 = arith.constant 0 : i32
      %ne3A_792 = arith.cmpi ne, %rem3A_790, %ne3A_791 : i32
      %lt3A_793 = arith.constant 0 : i32
      %lt3A_794 = arith.cmpi slt, %rem3A_790, %lt3A_793 : i32
      %lt3A_795 = arith.constant 0 : i32
      %lt3A_796 = arith.cmpi slt, %select_n3A_789, %lt3A_795 : i32
      %ne3A_797 = arith.xori %lt3A_794, %lt3A_796 : i1
      %and3A_798 = arith.andi %ne3A_797, %ne3A_792 : i1
      %add3A_799 = arith.addi %rem3A_790, %select_n3A_789 : i32
      %select_n3A_800 = arith.select %and3A_798, %add3A_799, %rem3A_790 : i32
      %mul3A_801 = arith.constant 8 : i32
      %mul3A_802 = arith.muli %select_n3A_784, %mul3A_801 : i32
      %add3A_803 = arith.addi %mul3A_2, %mul3A_802 : i32
      %mul3A_804 = arith.constant 2048 : i32
      %mul3A_805 = arith.muli %select_n3A_800, %mul3A_804 : i32
      %dma_wait3A_806 = arith.constant 2 : i32
      %dma_wait3A_807 = arith.constant 2 : i32
      %dma_wait3A_808 = arith.constant 0 : i32
      %dma_wait3A_809 = arith.constant 0 : i32
      %dma_wait3A_810 = tpu.memref_slice %arg6[%dma_wait3A_806, %dma_wait3A_808, %dma_wait3A_809] : memref<4x8x2048xf32, #tpu.memory_space<vmem>> -> memref<1x8x2048xf32, #tpu.memory_space<vmem>>
      %dma_wait3A_811 = tpu.memref_squeeze %dma_wait3A_810 : memref<1x8x2048xf32, #tpu.memory_space<vmem>> -> memref<8x2048xf32, #tpu.memory_space<vmem>>
      %dma_wait3A_812 = tpu.memref_slice %arg4[%add3A_803, %mul3A_805] : memref<16384x8192xf32, #tpu.memory_space<hbm>> -> memref<8x2048xf32, #tpu.memory_space<hbm>>
      %dma_wait3A_813 = tpu.memref_slice %arg8[%dma_wait3A_807] : memref<4x!tpu.dma_semaphore, #tpu.memory_space<semaphore_mem>> -> memref<1x!tpu.dma_semaphore, #tpu.memory_space<semaphore_mem>>
      %dma_wait3A_814 = tpu.memref_squeeze %dma_wait3A_813 : memref<1x!tpu.dma_semaphore, #tpu.memory_space<semaphore_mem>> -> memref<!tpu.dma_semaphore, #tpu.memory_space<semaphore_mem>>
      %dma_wait3A_815 = tpu.memref_slice %arg4[%add3A_803, %mul3A_805] : memref<16384x8192xf32, #tpu.memory_space<hbm>> -> memref<8x2048xf32, #tpu.memory_space<hbm>>
      %dma_wait3A_816 = arith.constant 0 : i32
      %dma_wait3A_817 = arith.constant 0 : i32
      %dma_wait3A_818 = tpu.memref_slice %arg6[%dma_wait3A_806, %dma_wait3A_816, %dma_wait3A_817] : memref<4x8x2048xf32, #tpu.memory_space<vmem>> -> memref<1x8x2048xf32, #tpu.memory_space<vmem>>
      %dma_wait3A_819 = tpu.memref_squeeze %dma_wait3A_818 : memref<1x8x2048xf32, #tpu.memory_space<vmem>> -> memref<8x2048xf32, #tpu.memory_space<vmem>>
      tpu.wait_dma2 semaphore(%dma_wait3A_814 : memref<!tpu.dma_semaphore, #tpu.memory_space<semaphore_mem>>) src(%dma_wait3A_819 : memref<8x2048xf32, #tpu.memory_space<vmem>>) dst(%dma_wait3A_815 : memref<8x2048xf32, #tpu.memory_space<hbm>>)
      %sub3A_820 = arith.constant 1 : i32
      %sub3A_821 = arith.subi %add3A_644, %sub3A_820 : i32
      %add3A_822 = arith.constant 4 : i32
      %add3A_823 = arith.addi %sub3A_821, %add3A_822 : i32
      %lt3A_824 = arith.constant 256 : i32
      %lt3A_825 = arith.cmpi slt, %add3A_823, %lt3A_824 : i32
      %convert_element_type3A_826 = arith.extui %lt3A_825 : i1 to i32
      %cond3A_827 = arith.constant 0 : i32
      %cond3A_828 = arith.cmpi ne, %convert_element_type3A_826, %cond3A_827 : i32
      scf.if %cond3A_828 {
        %jit3A_1019 = arith.constant 4 : i32
        %div3A_1020 = arith.divsi %add3A_823, %jit3A_1019 : i32
        %sign3A_1021 = arith.constant 0 : i32
        %sign3A_1022 = arith.cmpi sgt, %add3A_823, %sign3A_1021 : i32
        %sign3A_1023 = arith.extui %sign3A_1022 : i1 to i32
        %sign3A_1024 = arith.constant 0 : i32
        %sign3A_1025 = arith.cmpi slt, %add3A_823, %sign3A_1024 : i32
        %sign3A_1026 = arith.extui %sign3A_1025 : i1 to i32
        %sign3A_1027 = arith.subi %sign3A_1023, %sign3A_1026 : i32
        %sign3A_1028 = arith.constant 0 : i32
        %sign3A_1029 = arith.cmpi sgt, %jit3A_1019, %sign3A_1028 : i32
        %sign3A_1030 = arith.extui %sign3A_1029 : i1 to i32
        %sign3A_1031 = arith.constant 0 : i32
        %sign3A_1032 = arith.cmpi slt, %jit3A_1019, %sign3A_1031 : i32
        %sign3A_1033 = arith.extui %sign3A_1032 : i1 to i32
        %sign3A_1034 = arith.subi %sign3A_1030, %sign3A_1033 : i32
        %ne3A_1035 = arith.cmpi ne, %sign3A_1027, %sign3A_1034 : i32
        %rem3A_1036 = arith.remsi %add3A_823, %jit3A_1019 : i32
        %ne3A_1037 = arith.constant 0 : i32
        %ne3A_1038 = arith.cmpi ne, %rem3A_1036, %ne3A_1037 : i32
        %and3A_1039 = arith.andi %ne3A_1035, %ne3A_1038 : i1
        %sub3A_1040 = arith.constant 1 : i32
        %sub3A_1041 = arith.subi %div3A_1020, %sub3A_1040 : i32
        %select_n3A_1042 = arith.select %and3A_1039, %sub3A_1041, %div3A_1020 : i32
        %jit3A_1043 = arith.constant 4 : i32
        %eq3A_1044 = arith.constant 0 : i32
        %eq3A_1045 = arith.cmpi eq, %jit3A_1043, %eq3A_1044 : i32
        %jit3A_1046 = arith.constant 1 : i32
        %select_n3A_1047 = arith.select %eq3A_1045, %jit3A_1046, %jit3A_1043 : i32
        %rem3A_1048 = arith.remsi %add3A_823, %select_n3A_1047 : i32
        %ne3A_1049 = arith.constant 0 : i32
        %ne3A_1050 = arith.cmpi ne, %rem3A_1048, %ne3A_1049 : i32
        %lt3A_1051 = arith.constant 0 : i32
        %lt3A_1052 = arith.cmpi slt, %rem3A_1048, %lt3A_1051 : i32
        %lt3A_1053 = arith.constant 0 : i32
        %lt3A_1054 = arith.cmpi slt, %select_n3A_1047, %lt3A_1053 : i32
        %ne3A_1055 = arith.xori %lt3A_1052, %lt3A_1054 : i1
        %and3A_1056 = arith.andi %ne3A_1055, %ne3A_1050 : i1
        %add3A_1057 = arith.addi %rem3A_1048, %select_n3A_1047 : i32
        %select_n3A_1058 = arith.select %and3A_1056, %add3A_1057, %rem3A_1048 : i32
        %mul3A_1059 = arith.constant 2048 : i32
        %mul3A_1060 = arith.muli %select_n3A_1058, %mul3A_1059 : i32
        %dma_start3A_1061 = arith.constant 2 : i32
        %dma_start3A_1062 = arith.constant 2 : i32
        %dma_start3A_1063 = arith.constant 0 : i32
        %dma_start3A_1064 = arith.constant 0 : i32
        %dma_start3A_1065 = tpu.memref_slice %arg6[%dma_start3A_1061, %dma_start3A_1063, %dma_start3A_1064] : memref<4x8x2048xf32, #tpu.memory_space<vmem>> -> memref<1x8x2048xf32, #tpu.memory_space<vmem>>
        %dma_start3A_1066 = tpu.memref_squeeze %dma_start3A_1065 : memref<1x8x2048xf32, #tpu.memory_space<vmem>> -> memref<8x2048xf32, #tpu.memory_space<vmem>>
        %dma_start3A_1067 = arith.constant 0 : i32
        %dma_start3A_1068 = tpu.memref_slice %arg5[%select_n3A_1042, %dma_start3A_1067] : memref<64x8xi32, #tpu.memory_space<vmem>> -> memref<1x8xi32, #tpu.memory_space<vmem>>
        %dma_start3A_1069 = tpu.memref_squeeze %dma_start3A_1068 : memref<1x8xi32, #tpu.memory_space<vmem>> -> memref<8xi32, #tpu.memory_space<vmem>>
        %dma_start3A_1070 = arith.constant 0 : i32
        %dma_start3A_1071 = tpu.memref_slice %arg3[%dma_start3A_1070, %mul3A_1060] : memref<8192x8192xf32, #tpu.memory_space<hbm>> -> memref<8192x2048xf32, #tpu.memory_space<hbm>>
        %dma_start3A_1072 = tpu.memref_slice %arg7[%dma_start3A_1062] : memref<4x!tpu.dma_semaphore, #tpu.memory_space<semaphore_mem>> -> memref<1x!tpu.dma_semaphore, #tpu.memory_space<semaphore_mem>>
        %dma_start3A_1073 = tpu.memref_squeeze %dma_start3A_1072 : memref<1x!tpu.dma_semaphore, #tpu.memory_space<semaphore_mem>> -> memref<!tpu.dma_semaphore, #tpu.memory_space<semaphore_mem>>
        tpu.enqueue_indirect_dma source(%dma_start3A_1071 : memref<8192x2048xf32, #tpu.memory_space<hbm>>) target(%dma_start3A_1066 : memref<8x2048xf32, #tpu.memory_space<vmem>>) offsets(%dma_start3A_1069 : memref<8xi32, #tpu.memory_space<vmem>>) semaphore(%dma_start3A_1073 : memref<!tpu.dma_semaphore, #tpu.memory_space<semaphore_mem>>)
      } else {
      }
      %mul3A_829 = arith.constant 4 : i32
      %mul3A_830 = arith.muli %scan3A_270, %mul3A_829 : i32
      %add3A_831 = arith.constant 3 : i32
      %add3A_832 = arith.addi %mul3A_830, %add3A_831 : i32
      %add3A_833 = arith.constant 1 : i32
      %add3A_834 = arith.addi %add3A_832, %add3A_833 : i32
      %jit3A_835 = arith.constant 4 : i32
      %div3A_836 = arith.divsi %add3A_834, %jit3A_835 : i32
      %sign3A_837 = arith.constant 0 : i32
      %sign3A_838 = arith.cmpi sgt, %add3A_834, %sign3A_837 : i32
      %sign3A_839 = arith.extui %sign3A_838 : i1 to i32
      %sign3A_840 = arith.constant 0 : i32
      %sign3A_841 = arith.cmpi slt, %add3A_834, %sign3A_840 : i32
      %sign3A_842 = arith.extui %sign3A_841 : i1 to i32
      %sign3A_843 = arith.subi %sign3A_839, %sign3A_842 : i32
      %sign3A_844 = arith.constant 0 : i32
      %sign3A_845 = arith.cmpi sgt, %jit3A_835, %sign3A_844 : i32
      %sign3A_846 = arith.extui %sign3A_845 : i1 to i32
      %sign3A_847 = arith.constant 0 : i32
      %sign3A_848 = arith.cmpi slt, %jit3A_835, %sign3A_847 : i32
      %sign3A_849 = arith.extui %sign3A_848 : i1 to i32
      %sign3A_850 = arith.subi %sign3A_846, %sign3A_849 : i32
      %ne3A_851 = arith.cmpi ne, %sign3A_843, %sign3A_850 : i32
      %rem3A_852 = arith.remsi %add3A_834, %jit3A_835 : i32
      %ne3A_853 = arith.constant 0 : i32
      %ne3A_854 = arith.cmpi ne, %rem3A_852, %ne3A_853 : i32
      %and3A_855 = arith.andi %ne3A_851, %ne3A_854 : i1
      %sub3A_856 = arith.constant 1 : i32
      %sub3A_857 = arith.subi %div3A_836, %sub3A_856 : i32
      %select_n3A_858 = arith.select %and3A_855, %sub3A_857, %div3A_836 : i32
      %jit3A_859 = arith.constant 4 : i32
      %eq3A_860 = arith.constant 0 : i32
      %eq3A_861 = arith.cmpi eq, %jit3A_859, %eq3A_860 : i32
      %jit3A_862 = arith.constant 1 : i32
      %select_n3A_863 = arith.select %eq3A_861, %jit3A_862, %jit3A_859 : i32
      %rem3A_864 = arith.remsi %add3A_834, %select_n3A_863 : i32
      %ne3A_865 = arith.constant 0 : i32
      %ne3A_866 = arith.cmpi ne, %rem3A_864, %ne3A_865 : i32
      %lt3A_867 = arith.constant 0 : i32
      %lt3A_868 = arith.cmpi slt, %rem3A_864, %lt3A_867 : i32
      %lt3A_869 = arith.constant 0 : i32
      %lt3A_870 = arith.cmpi slt, %select_n3A_863, %lt3A_869 : i32
      %ne3A_871 = arith.xori %lt3A_868, %lt3A_870 : i1
      %and3A_872 = arith.andi %ne3A_871, %ne3A_866 : i1
      %add3A_873 = arith.addi %rem3A_864, %select_n3A_863 : i32
      %select_n3A_874 = arith.select %and3A_872, %add3A_873, %rem3A_864 : i32
      %mul3A_875 = arith.constant 2048 : i32
      %mul3A_876 = arith.muli %select_n3A_874, %mul3A_875 : i32
      %dma_wait3A_877 = arith.constant 0 : i32
      %dma_wait3A_878 = arith.constant 0 : i32
      %dma_wait3A_879 = arith.constant 0 : i32
      %dma_wait3A_880 = arith.constant 0 : i32
      %dma_wait3A_881 = tpu.memref_slice %arg6[%dma_wait3A_877, %dma_wait3A_879, %dma_wait3A_880] : memref<4x8x2048xf32, #tpu.memory_space<vmem>> -> memref<1x8x2048xf32, #tpu.memory_space<vmem>>
      %dma_wait3A_882 = tpu.memref_squeeze %dma_wait3A_881 : memref<1x8x2048xf32, #tpu.memory_space<vmem>> -> memref<8x2048xf32, #tpu.memory_space<vmem>>
      %dma_wait3A_883 = arith.constant 0 : i32
      %dma_wait3A_884 = tpu.memref_slice %arg5[%select_n3A_858, %dma_wait3A_883] : memref<64x8xi32, #tpu.memory_space<vmem>> -> memref<1x8xi32, #tpu.memory_space<vmem>>
      %dma_wait3A_885 = tpu.memref_squeeze %dma_wait3A_884 : memref<1x8xi32, #tpu.memory_space<vmem>> -> memref<8xi32, #tpu.memory_space<vmem>>
      %dma_wait3A_886 = arith.constant 0 : i32
      %dma_wait3A_887 = tpu.memref_slice %arg3[%dma_wait3A_886, %mul3A_876] : memref<8192x8192xf32, #tpu.memory_space<hbm>> -> memref<8192x2048xf32, #tpu.memory_space<hbm>>
      %dma_wait3A_888 = tpu.memref_slice %arg7[%dma_wait3A_878] : memref<4x!tpu.dma_semaphore, #tpu.memory_space<semaphore_mem>> -> memref<1x!tpu.dma_semaphore, #tpu.memory_space<semaphore_mem>>
      %dma_wait3A_889 = tpu.memref_squeeze %dma_wait3A_888 : memref<1x!tpu.dma_semaphore, #tpu.memory_space<semaphore_mem>> -> memref<!tpu.dma_semaphore, #tpu.memory_space<semaphore_mem>>
      tpu.wait_indirect_dma semaphore(%dma_wait3A_889 : memref<!tpu.dma_semaphore, #tpu.memory_space<semaphore_mem>>) src(%dma_wait3A_887 : memref<8192x2048xf32, #tpu.memory_space<hbm>>) dst(%dma_wait3A_882 : memref<8x2048xf32, #tpu.memory_space<vmem>>)
      %jit3A_890 = arith.constant 4 : i32
      %div3A_891 = arith.divsi %add3A_834, %jit3A_890 : i32
      %sign3A_892 = arith.constant 0 : i32
      %sign3A_893 = arith.cmpi sgt, %add3A_834, %sign3A_892 : i32
      %sign3A_894 = arith.extui %sign3A_893 : i1 to i32
      %sign3A_895 = arith.constant 0 : i32
      %sign3A_896 = arith.cmpi slt, %add3A_834, %sign3A_895 : i32
      %sign3A_897 = arith.extui %sign3A_896 : i1 to i32
      %sign3A_898 = arith.subi %sign3A_894, %sign3A_897 : i32
      %sign3A_899 = arith.constant 0 : i32
      %sign3A_900 = arith.cmpi sgt, %jit3A_890, %sign3A_899 : i32
      %sign3A_901 = arith.extui %sign3A_900 : i1 to i32
      %sign3A_902 = arith.constant 0 : i32
      %sign3A_903 = arith.cmpi slt, %jit3A_890, %sign3A_902 : i32
      %sign3A_904 = arith.extui %sign3A_903 : i1 to i32
      %sign3A_905 = arith.subi %sign3A_901, %sign3A_904 : i32
      %ne3A_906 = arith.cmpi ne, %sign3A_898, %sign3A_905 : i32
      %rem3A_907 = arith.remsi %add3A_834, %jit3A_890 : i32
      %ne3A_908 = arith.constant 0 : i32
      %ne3A_909 = arith.cmpi ne, %rem3A_907, %ne3A_908 : i32
      %and3A_910 = arith.andi %ne3A_906, %ne3A_909 : i1
      %sub3A_911 = arith.constant 1 : i32
      %sub3A_912 = arith.subi %div3A_891, %sub3A_911 : i32
      %select_n3A_913 = arith.select %and3A_910, %sub3A_912, %div3A_891 : i32
      %jit3A_914 = arith.constant 4 : i32
      %eq3A_915 = arith.constant 0 : i32
      %eq3A_916 = arith.cmpi eq, %jit3A_914, %eq3A_915 : i32
      %jit3A_917 = arith.constant 1 : i32
      %select_n3A_918 = arith.select %eq3A_916, %jit3A_917, %jit3A_914 : i32
      %rem3A_919 = arith.remsi %add3A_834, %select_n3A_918 : i32
      %ne3A_920 = arith.constant 0 : i32
      %ne3A_921 = arith.cmpi ne, %rem3A_919, %ne3A_920 : i32
      %lt3A_922 = arith.constant 0 : i32
      %lt3A_923 = arith.cmpi slt, %rem3A_919, %lt3A_922 : i32
      %lt3A_924 = arith.constant 0 : i32
      %lt3A_925 = arith.cmpi slt, %select_n3A_918, %lt3A_924 : i32
      %ne3A_926 = arith.xori %lt3A_923, %lt3A_925 : i1
      %and3A_927 = arith.andi %ne3A_926, %ne3A_921 : i1
      %add3A_928 = arith.addi %rem3A_919, %select_n3A_918 : i32
      %select_n3A_929 = arith.select %and3A_927, %add3A_928, %rem3A_919 : i32
      %mul3A_930 = arith.constant 8 : i32
      %mul3A_931 = arith.muli %select_n3A_913, %mul3A_930 : i32
      %add3A_932 = arith.addi %mul3A_2, %mul3A_931 : i32
      %mul3A_933 = arith.constant 2048 : i32
      %mul3A_934 = arith.muli %select_n3A_929, %mul3A_933 : i32
      %dma_start3A_935 = arith.constant 0 : i32
      %dma_start3A_936 = arith.constant 0 : i32
      %dma_start3A_937 = arith.constant 0 : i32
      %dma_start3A_938 = arith.constant 0 : i32
      %dma_start3A_939 = tpu.memref_slice %arg6[%dma_start3A_935, %dma_start3A_937, %dma_start3A_938] : memref<4x8x2048xf32, #tpu.memory_space<vmem>> -> memref<1x8x2048xf32, #tpu.memory_space<vmem>>
      %dma_start3A_940 = tpu.memref_squeeze %dma_start3A_939 : memref<1x8x2048xf32, #tpu.memory_space<vmem>> -> memref<8x2048xf32, #tpu.memory_space<vmem>>
      %dma_start3A_941 = tpu.memref_slice %arg4[%add3A_932, %mul3A_934] : memref<16384x8192xf32, #tpu.memory_space<hbm>> -> memref<8x2048xf32, #tpu.memory_space<hbm>>
      %dma_start3A_942 = tpu.memref_slice %arg8[%dma_start3A_936] : memref<4x!tpu.dma_semaphore, #tpu.memory_space<semaphore_mem>> -> memref<1x!tpu.dma_semaphore, #tpu.memory_space<semaphore_mem>>
      %dma_start3A_943 = tpu.memref_squeeze %dma_start3A_942 : memref<1x!tpu.dma_semaphore, #tpu.memory_space<semaphore_mem>> -> memref<!tpu.dma_semaphore, #tpu.memory_space<semaphore_mem>>
      %dma_start3A_944 = tpu.memref_slice %arg4[%add3A_932, %mul3A_934] : memref<16384x8192xf32, #tpu.memory_space<hbm>> -> memref<8x2048xf32, #tpu.memory_space<hbm>>
      %dma_start3A_945 = arith.constant 0 : i32
      %dma_start3A_946 = arith.constant 0 : i32
      %dma_start3A_947 = tpu.memref_slice %arg6[%dma_start3A_935, %dma_start3A_945, %dma_start3A_946] : memref<4x8x2048xf32, #tpu.memory_space<vmem>> -> memref<1x8x2048xf32, #tpu.memory_space<vmem>>
      %dma_start3A_948 = tpu.memref_squeeze %dma_start3A_947 : memref<1x8x2048xf32, #tpu.memory_space<vmem>> -> memref<8x2048xf32, #tpu.memory_space<vmem>>
      tpu.enqueue_dma source(%dma_start3A_948 : memref<8x2048xf32, #tpu.memory_space<vmem>>) target(%dma_start3A_944 : memref<8x2048xf32, #tpu.memory_space<hbm>>) target_semaphore(%dma_start3A_943 : memref<!tpu.dma_semaphore, #tpu.memory_space<semaphore_mem>>)
      %sub3A_949 = arith.constant 1 : i32
      %sub3A_950 = arith.subi %add3A_834, %sub3A_949 : i32
      %jit3A_951 = arith.constant 4 : i32
      %div3A_952 = arith.divsi %sub3A_950, %jit3A_951 : i32
      %sign3A_953 = arith.constant 0 : i32
      %sign3A_954 = arith.cmpi sgt, %sub3A_950, %sign3A_953 : i32
      %sign3A_955 = arith.extui %sign3A_954 : i1 to i32
      %sign3A_956 = arith.constant 0 : i32
      %sign3A_957 = arith.cmpi slt, %sub3A_950, %sign3A_956 : i32
      %sign3A_958 = arith.extui %sign3A_957 : i1 to i32
      %sign3A_959 = arith.subi %sign3A_955, %sign3A_958 : i32
      %sign3A_960 = arith.constant 0 : i32
      %sign3A_961 = arith.cmpi sgt, %jit3A_951, %sign3A_960 : i32
      %sign3A_962 = arith.extui %sign3A_961 : i1 to i32
      %sign3A_963 = arith.constant 0 : i32
      %sign3A_964 = arith.cmpi slt, %jit3A_951, %sign3A_963 : i32
      %sign3A_965 = arith.extui %sign3A_964 : i1 to i32
      %sign3A_966 = arith.subi %sign3A_962, %sign3A_965 : i32
      %ne3A_967 = arith.cmpi ne, %sign3A_959, %sign3A_966 : i32
      %rem3A_968 = arith.remsi %sub3A_950, %jit3A_951 : i32
      %ne3A_969 = arith.constant 0 : i32
      %ne3A_970 = arith.cmpi ne, %rem3A_968, %ne3A_969 : i32
      %and3A_971 = arith.andi %ne3A_967, %ne3A_970 : i1
      %sub3A_972 = arith.constant 1 : i32
      %sub3A_973 = arith.subi %div3A_952, %sub3A_972 : i32
      %select_n3A_974 = arith.select %and3A_971, %sub3A_973, %div3A_952 : i32
      %jit3A_975 = arith.constant 4 : i32
      %eq3A_976 = arith.constant 0 : i32
      %eq3A_977 = arith.cmpi eq, %jit3A_975, %eq3A_976 : i32
      %jit3A_978 = arith.constant 1 : i32
      %select_n3A_979 = arith.select %eq3A_977, %jit3A_978, %jit3A_975 : i32
      %rem3A_980 = arith.remsi %sub3A_950, %select_n3A_979 : i32
      %ne3A_981 = arith.constant 0 : i32
      %ne3A_982 = arith.cmpi ne, %rem3A_980, %ne3A_981 : i32
      %lt3A_983 = arith.constant 0 : i32
      %lt3A_984 = arith.cmpi slt, %rem3A_980, %lt3A_983 : i32
      %lt3A_985 = arith.constant 0 : i32
      %lt3A_986 = arith.cmpi slt, %select_n3A_979, %lt3A_985 : i32
      %ne3A_987 = arith.xori %lt3A_984, %lt3A_986 : i1
      %and3A_988 = arith.andi %ne3A_987, %ne3A_982 : i1
      %add3A_989 = arith.addi %rem3A_980, %select_n3A_979 : i32
      %select_n3A_990 = arith.select %and3A_988, %add3A_989, %rem3A_980 : i32
      %mul3A_991 = arith.constant 8 : i32
      %mul3A_992 = arith.muli %select_n3A_974, %mul3A_991 : i32
      %add3A_993 = arith.addi %mul3A_2, %mul3A_992 : i32
      %mul3A_994 = arith.constant 2048 : i32
      %mul3A_995 = arith.muli %select_n3A_990, %mul3A_994 : i32
      %dma_wait3A_996 = arith.constant 3 : i32
      %dma_wait3A_997 = arith.constant 3 : i32
      %dma_wait3A_998 = arith.constant 0 : i32
      %dma_wait3A_999 = arith.constant 0 : i32
      %dma_wait3A_1000 = tpu.memref_slice %arg6[%dma_wait3A_996, %dma_wait3A_998, %dma_wait3A_999] : memref<4x8x2048xf32, #tpu.memory_space<vmem>> -> memref<1x8x2048xf32, #tpu.memory_space<vmem>>
      %dma_wait3A_1001 = tpu.memref_squeeze %dma_wait3A_1000 : memref<1x8x2048xf32, #tpu.memory_space<vmem>> -> memref<8x2048xf32, #tpu.memory_space<vmem>>
      %dma_wait3A_1002 = tpu.memref_slice %arg4[%add3A_993, %mul3A_995] : memref<16384x8192xf32, #tpu.memory_space<hbm>> -> memref<8x2048xf32, #tpu.memory_space<hbm>>
      %dma_wait3A_1003 = tpu.memref_slice %arg8[%dma_wait3A_997] : memref<4x!tpu.dma_semaphore, #tpu.memory_space<semaphore_mem>> -> memref<1x!tpu.dma_semaphore, #tpu.memory_space<semaphore_mem>>
      %dma_wait3A_1004 = tpu.memref_squeeze %dma_wait3A_1003 : memref<1x!tpu.dma_semaphore, #tpu.memory_space<semaphore_mem>> -> memref<!tpu.dma_semaphore, #tpu.memory_space<semaphore_mem>>
      %dma_wait3A_1005 = tpu.memref_slice %arg4[%add3A_993, %mul3A_995] : memref<16384x8192xf32, #tpu.memory_space<hbm>> -> memref<8x2048xf32, #tpu.memory_space<hbm>>
      %dma_wait3A_1006 = arith.constant 0 : i32
      %dma_wait3A_1007 = arith.constant 0 : i32
      %dma_wait3A_1008 = tpu.memref_slice %arg6[%dma_wait3A_996, %dma_wait3A_1006, %dma_wait3A_1007] : memref<4x8x2048xf32, #tpu.memory_space<vmem>> -> memref<1x8x2048xf32, #tpu.memory_space<vmem>>
      %dma_wait3A_1009 = tpu.memref_squeeze %dma_wait3A_1008 : memref<1x8x2048xf32, #tpu.memory_space<vmem>> -> memref<8x2048xf32, #tpu.memory_space<vmem>>
      tpu.wait_dma2 semaphore(%dma_wait3A_1004 : memref<!tpu.dma_semaphore, #tpu.memory_space<semaphore_mem>>) src(%dma_wait3A_1009 : memref<8x2048xf32, #tpu.memory_space<vmem>>) dst(%dma_wait3A_1005 : memref<8x2048xf32, #tpu.memory_space<hbm>>)
      %sub3A_1010 = arith.constant 1 : i32
      %sub3A_1011 = arith.subi %add3A_834, %sub3A_1010 : i32
      %add3A_1012 = arith.constant 4 : i32
      %add3A_1013 = arith.addi %sub3A_1011, %add3A_1012 : i32
      %lt3A_1014 = arith.constant 256 : i32
      %lt3A_1015 = arith.cmpi slt, %add3A_1013, %lt3A_1014 : i32
      %convert_element_type3A_1016 = arith.extui %lt3A_1015 : i1 to i32
      %cond3A_1017 = arith.constant 0 : i32
      %cond3A_1018 = arith.cmpi ne, %convert_element_type3A_1016, %cond3A_1017 : i32
      scf.if %cond3A_1018 {
        %jit3A_1019 = arith.constant 4 : i32
        %div3A_1020 = arith.divsi %add3A_1013, %jit3A_1019 : i32
        %sign3A_1021 = arith.constant 0 : i32
        %sign3A_1022 = arith.cmpi sgt, %add3A_1013, %sign3A_1021 : i32
        %sign3A_1023 = arith.extui %sign3A_1022 : i1 to i32
        %sign3A_1024 = arith.constant 0 : i32
        %sign3A_1025 = arith.cmpi slt, %add3A_1013, %sign3A_1024 : i32
        %sign3A_1026 = arith.extui %sign3A_1025 : i1 to i32
        %sign3A_1027 = arith.subi %sign3A_1023, %sign3A_1026 : i32
        %sign3A_1028 = arith.constant 0 : i32
        %sign3A_1029 = arith.cmpi sgt, %jit3A_1019, %sign3A_1028 : i32
        %sign3A_1030 = arith.extui %sign3A_1029 : i1 to i32
        %sign3A_1031 = arith.constant 0 : i32
        %sign3A_1032 = arith.cmpi slt, %jit3A_1019, %sign3A_1031 : i32
        %sign3A_1033 = arith.extui %sign3A_1032 : i1 to i32
        %sign3A_1034 = arith.subi %sign3A_1030, %sign3A_1033 : i32
        %ne3A_1035 = arith.cmpi ne, %sign3A_1027, %sign3A_1034 : i32
        %rem3A_1036 = arith.remsi %add3A_1013, %jit3A_1019 : i32
        %ne3A_1037 = arith.constant 0 : i32
        %ne3A_1038 = arith.cmpi ne, %rem3A_1036, %ne3A_1037 : i32
        %and3A_1039 = arith.andi %ne3A_1035, %ne3A_1038 : i1
        %sub3A_1040 = arith.constant 1 : i32
        %sub3A_1041 = arith.subi %div3A_1020, %sub3A_1040 : i32
        %select_n3A_1042 = arith.select %and3A_1039, %sub3A_1041, %div3A_1020 : i32
        %jit3A_1043 = arith.constant 4 : i32
        %eq3A_1044 = arith.constant 0 : i32
        %eq3A_1045 = arith.cmpi eq, %jit3A_1043, %eq3A_1044 : i32
        %jit3A_1046 = arith.constant 1 : i32
        %select_n3A_1047 = arith.select %eq3A_1045, %jit3A_1046, %jit3A_1043 : i32
        %rem3A_1048 = arith.remsi %add3A_1013, %select_n3A_1047 : i32
        %ne3A_1049 = arith.constant 0 : i32
        %ne3A_1050 = arith.cmpi ne, %rem3A_1048, %ne3A_1049 : i32
        %lt3A_1051 = arith.constant 0 : i32
        %lt3A_1052 = arith.cmpi slt, %rem3A_1048, %lt3A_1051 : i32
        %lt3A_1053 = arith.constant 0 : i32
        %lt3A_1054 = arith.cmpi slt, %select_n3A_1047, %lt3A_1053 : i32
        %ne3A_1055 = arith.xori %lt3A_1052, %lt3A_1054 : i1
        %and3A_1056 = arith.andi %ne3A_1055, %ne3A_1050 : i1
        %add3A_1057 = arith.addi %rem3A_1048, %select_n3A_1047 : i32
        %select_n3A_1058 = arith.select %and3A_1056, %add3A_1057, %rem3A_1048 : i32
        %mul3A_1059 = arith.constant 2048 : i32
        %mul3A_1060 = arith.muli %select_n3A_1058, %mul3A_1059 : i32
        %dma_start3A_1061 = arith.constant 3 : i32
        %dma_start3A_1062 = arith.constant 3 : i32
        %dma_start3A_1063 = arith.constant 0 : i32
        %dma_start3A_1064 = arith.constant 0 : i32
        %dma_start3A_1065 = tpu.memref_slice %arg6[%dma_start3A_1061, %dma_start3A_1063, %dma_start3A_1064] : memref<4x8x2048xf32, #tpu.memory_space<vmem>> -> memref<1x8x2048xf32, #tpu.memory_space<vmem>>
        %dma_start3A_1066 = tpu.memref_squeeze %dma_start3A_1065 : memref<1x8x2048xf32, #tpu.memory_space<vmem>> -> memref<8x2048xf32, #tpu.memory_space<vmem>>
        %dma_start3A_1067 = arith.constant 0 : i32
        %dma_start3A_1068 = tpu.memref_slice %arg5[%select_n3A_1042, %dma_start3A_1067] : memref<64x8xi32, #tpu.memory_space<vmem>> -> memref<1x8xi32, #tpu.memory_space<vmem>>
        %dma_start3A_1069 = tpu.memref_squeeze %dma_start3A_1068 : memref<1x8xi32, #tpu.memory_space<vmem>> -> memref<8xi32, #tpu.memory_space<vmem>>
        %dma_start3A_1070 = arith.constant 0 : i32
        %dma_start3A_1071 = tpu.memref_slice %arg3[%dma_start3A_1070, %mul3A_1060] : memref<8192x8192xf32, #tpu.memory_space<hbm>> -> memref<8192x2048xf32, #tpu.memory_space<hbm>>
        %dma_start3A_1072 = tpu.memref_slice %arg7[%dma_start3A_1062] : memref<4x!tpu.dma_semaphore, #tpu.memory_space<semaphore_mem>> -> memref<1x!tpu.dma_semaphore, #tpu.memory_space<semaphore_mem>>
        %dma_start3A_1073 = tpu.memref_squeeze %dma_start3A_1072 : memref<1x!tpu.dma_semaphore, #tpu.memory_space<semaphore_mem>> -> memref<!tpu.dma_semaphore, #tpu.memory_space<semaphore_mem>>
        tpu.enqueue_indirect_dma source(%dma_start3A_1071 : memref<8192x2048xf32, #tpu.memory_space<hbm>>) target(%dma_start3A_1066 : memref<8x2048xf32, #tpu.memory_space<vmem>>) offsets(%dma_start3A_1069 : memref<8xi32, #tpu.memory_space<vmem>>) semaphore(%dma_start3A_1073 : memref<!tpu.dma_semaphore, #tpu.memory_space<semaphore_mem>>)
      } else {
      }
    }
    %scan3A_98 = arith.constant 63 : i32
    %dma_wait3A_99 = arith.constant 63 : i32
    %dma_wait3A_100 = arith.constant 1 : i32
    %dma_wait3A_101 = arith.constant 1 : i32
    %dma_wait3A_102 = arith.constant 0 : i32
    %dma_wait3A_103 = arith.constant 0 : i32
    %dma_wait3A_104 = tpu.memref_slice %arg6[%dma_wait3A_100, %dma_wait3A_102, %dma_wait3A_103] : memref<4x8x2048xf32, #tpu.memory_space<vmem>> -> memref<1x8x2048xf32, #tpu.memory_space<vmem>>
    %dma_wait3A_105 = tpu.memref_squeeze %dma_wait3A_104 : memref<1x8x2048xf32, #tpu.memory_space<vmem>> -> memref<8x2048xf32, #tpu.memory_space<vmem>>
    %dma_wait3A_106 = arith.constant 0 : i32
    %dma_wait3A_107 = tpu.memref_slice %arg5[%dma_wait3A_99, %dma_wait3A_106] : memref<64x8xi32, #tpu.memory_space<vmem>> -> memref<1x8xi32, #tpu.memory_space<vmem>>
    %dma_wait3A_108 = tpu.memref_squeeze %dma_wait3A_107 : memref<1x8xi32, #tpu.memory_space<vmem>> -> memref<8xi32, #tpu.memory_space<vmem>>
    %dma_wait3A_109 = arith.constant 0 : i32
    %dma_wait3A_110 = arith.constant 2048 : i32
    %dma_wait3A_111 = tpu.memref_slice %arg3[%dma_wait3A_109, %dma_wait3A_110] : memref<8192x8192xf32, #tpu.memory_space<hbm>> -> memref<8192x2048xf32, #tpu.memory_space<hbm>>
    %dma_wait3A_112 = tpu.memref_slice %arg7[%dma_wait3A_101] : memref<4x!tpu.dma_semaphore, #tpu.memory_space<semaphore_mem>> -> memref<1x!tpu.dma_semaphore, #tpu.memory_space<semaphore_mem>>
    %dma_wait3A_113 = tpu.memref_squeeze %dma_wait3A_112 : memref<1x!tpu.dma_semaphore, #tpu.memory_space<semaphore_mem>> -> memref<!tpu.dma_semaphore, #tpu.memory_space<semaphore_mem>>
    tpu.wait_indirect_dma semaphore(%dma_wait3A_113 : memref<!tpu.dma_semaphore, #tpu.memory_space<semaphore_mem>>) src(%dma_wait3A_111 : memref<8192x2048xf32, #tpu.memory_space<hbm>>) dst(%dma_wait3A_105 : memref<8x2048xf32, #tpu.memory_space<vmem>>)
    %add3A_114 = arith.constant 504 : i32
    %add3A_115 = arith.addi %mul3A_2, %add3A_114 : i32
    %dma_start3A_116 = arith.constant 1 : i32
    %dma_start3A_117 = arith.constant 1 : i32
    %dma_start3A_118 = arith.constant 0 : i32
    %dma_start3A_119 = arith.constant 0 : i32
    %dma_start3A_120 = tpu.memref_slice %arg6[%dma_start3A_116, %dma_start3A_118, %dma_start3A_119] : memref<4x8x2048xf32, #tpu.memory_space<vmem>> -> memref<1x8x2048xf32, #tpu.memory_space<vmem>>
    %dma_start3A_121 = tpu.memref_squeeze %dma_start3A_120 : memref<1x8x2048xf32, #tpu.memory_space<vmem>> -> memref<8x2048xf32, #tpu.memory_space<vmem>>
    %dma_start3A_122 = arith.constant 2048 : i32
    %dma_start3A_123 = tpu.memref_slice %arg4[%add3A_115, %dma_start3A_122] : memref<16384x8192xf32, #tpu.memory_space<hbm>> -> memref<8x2048xf32, #tpu.memory_space<hbm>>
    %dma_start3A_124 = tpu.memref_slice %arg8[%dma_start3A_117] : memref<4x!tpu.dma_semaphore, #tpu.memory_space<semaphore_mem>> -> memref<1x!tpu.dma_semaphore, #tpu.memory_space<semaphore_mem>>
    %dma_start3A_125 = tpu.memref_squeeze %dma_start3A_124 : memref<1x!tpu.dma_semaphore, #tpu.memory_space<semaphore_mem>> -> memref<!tpu.dma_semaphore, #tpu.memory_space<semaphore_mem>>
    %dma_start3A_126 = arith.constant 2048 : i32
    %dma_start3A_127 = tpu.memref_slice %arg4[%add3A_115, %dma_start3A_126] : memref<16384x8192xf32, #tpu.memory_space<hbm>> -> memref<8x2048xf32, #tpu.memory_space<hbm>>
    %dma_start3A_128 = arith.constant 0 : i32
    %dma_start3A_129 = arith.constant 0 : i32
    %dma_start3A_130 = tpu.memref_slice %arg6[%dma_start3A_116, %dma_start3A_128, %dma_start3A_129] : memref<4x8x2048xf32, #tpu.memory_space<vmem>> -> memref<1x8x2048xf32, #tpu.memory_space<vmem>>
    %dma_start3A_131 = tpu.memref_squeeze %dma_start3A_130 : memref<1x8x2048xf32, #tpu.memory_space<vmem>> -> memref<8x2048xf32, #tpu.memory_space<vmem>>
    tpu.enqueue_dma source(%dma_start3A_131 : memref<8x2048xf32, #tpu.memory_space<vmem>>) target(%dma_start3A_127 : memref<8x2048xf32, #tpu.memory_space<hbm>>) target_semaphore(%dma_start3A_125 : memref<!tpu.dma_semaphore, #tpu.memory_space<semaphore_mem>>)
    %add3A_132 = arith.constant 504 : i32
    %add3A_133 = arith.addi %mul3A_2, %add3A_132 : i32
    %dma_wait3A_134 = arith.constant 0 : i32
    %dma_wait3A_135 = arith.constant 0 : i32
    %dma_wait3A_136 = arith.constant 0 : i32
    %dma_wait3A_137 = arith.constant 0 : i32
    %dma_wait3A_138 = tpu.memref_slice %arg6[%dma_wait3A_134, %dma_wait3A_136, %dma_wait3A_137] : memref<4x8x2048xf32, #tpu.memory_space<vmem>> -> memref<1x8x2048xf32, #tpu.memory_space<vmem>>
    %dma_wait3A_139 = tpu.memref_squeeze %dma_wait3A_138 : memref<1x8x2048xf32, #tpu.memory_space<vmem>> -> memref<8x2048xf32, #tpu.memory_space<vmem>>
    %dma_wait3A_140 = arith.constant 0 : i32
    %dma_wait3A_141 = tpu.memref_slice %arg4[%add3A_133, %dma_wait3A_140] : memref<16384x8192xf32, #tpu.memory_space<hbm>> -> memref<8x2048xf32, #tpu.memory_space<hbm>>
    %dma_wait3A_142 = tpu.memref_slice %arg8[%dma_wait3A_135] : memref<4x!tpu.dma_semaphore, #tpu.memory_space<semaphore_mem>> -> memref<1x!tpu.dma_semaphore, #tpu.memory_space<semaphore_mem>>
    %dma_wait3A_143 = tpu.memref_squeeze %dma_wait3A_142 : memref<1x!tpu.dma_semaphore, #tpu.memory_space<semaphore_mem>> -> memref<!tpu.dma_semaphore, #tpu.memory_space<semaphore_mem>>
    %dma_wait3A_144 = arith.constant 0 : i32
    %dma_wait3A_145 = tpu.memref_slice %arg4[%add3A_133, %dma_wait3A_144] : memref<16384x8192xf32, #tpu.memory_space<hbm>> -> memref<8x2048xf32, #tpu.memory_space<hbm>>
    %dma_wait3A_146 = arith.constant 0 : i32
    %dma_wait3A_147 = arith.constant 0 : i32
    %dma_wait3A_148 = tpu.memref_slice %arg6[%dma_wait3A_134, %dma_wait3A_146, %dma_wait3A_147] : memref<4x8x2048xf32, #tpu.memory_space<vmem>> -> memref<1x8x2048xf32, #tpu.memory_space<vmem>>
    %dma_wait3A_149 = tpu.memref_squeeze %dma_wait3A_148 : memref<1x8x2048xf32, #tpu.memory_space<vmem>> -> memref<8x2048xf32, #tpu.memory_space<vmem>>
    tpu.wait_dma2 semaphore(%dma_wait3A_143 : memref<!tpu.dma_semaphore, #tpu.memory_space<semaphore_mem>>) src(%dma_wait3A_149 : memref<8x2048xf32, #tpu.memory_space<vmem>>) dst(%dma_wait3A_145 : memref<8x2048xf32, #tpu.memory_space<hbm>>)
    %dma_wait3A_150 = arith.constant 63 : i32
    %dma_wait3A_151 = arith.constant 2 : i32
    %dma_wait3A_152 = arith.constant 2 : i32
    %dma_wait3A_153 = arith.constant 0 : i32
    %dma_wait3A_154 = arith.constant 0 : i32
    %dma_wait3A_155 = tpu.memref_slice %arg6[%dma_wait3A_151, %dma_wait3A_153, %dma_wait3A_154] : memref<4x8x2048xf32, #tpu.memory_space<vmem>> -> memref<1x8x2048xf32, #tpu.memory_space<vmem>>
    %dma_wait3A_156 = tpu.memref_squeeze %dma_wait3A_155 : memref<1x8x2048xf32, #tpu.memory_space<vmem>> -> memref<8x2048xf32, #tpu.memory_space<vmem>>
    %dma_wait3A_157 = arith.constant 0 : i32
    %dma_wait3A_158 = tpu.memref_slice %arg5[%dma_wait3A_150, %dma_wait3A_157] : memref<64x8xi32, #tpu.memory_space<vmem>> -> memref<1x8xi32, #tpu.memory_space<vmem>>
    %dma_wait3A_159 = tpu.memref_squeeze %dma_wait3A_158 : memref<1x8xi32, #tpu.memory_space<vmem>> -> memref<8xi32, #tpu.memory_space<vmem>>
    %dma_wait3A_160 = arith.constant 0 : i32
    %dma_wait3A_161 = arith.constant 4096 : i32
    %dma_wait3A_162 = tpu.memref_slice %arg3[%dma_wait3A_160, %dma_wait3A_161] : memref<8192x8192xf32, #tpu.memory_space<hbm>> -> memref<8192x2048xf32, #tpu.memory_space<hbm>>
    %dma_wait3A_163 = tpu.memref_slice %arg7[%dma_wait3A_152] : memref<4x!tpu.dma_semaphore, #tpu.memory_space<semaphore_mem>> -> memref<1x!tpu.dma_semaphore, #tpu.memory_space<semaphore_mem>>
    %dma_wait3A_164 = tpu.memref_squeeze %dma_wait3A_163 : memref<1x!tpu.dma_semaphore, #tpu.memory_space<semaphore_mem>> -> memref<!tpu.dma_semaphore, #tpu.memory_space<semaphore_mem>>
    tpu.wait_indirect_dma semaphore(%dma_wait3A_164 : memref<!tpu.dma_semaphore, #tpu.memory_space<semaphore_mem>>) src(%dma_wait3A_162 : memref<8192x2048xf32, #tpu.memory_space<hbm>>) dst(%dma_wait3A_156 : memref<8x2048xf32, #tpu.memory_space<vmem>>)
    %add3A_165 = arith.constant 504 : i32
    %add3A_166 = arith.addi %mul3A_2, %add3A_165 : i32
    %dma_start3A_167 = arith.constant 2 : i32
    %dma_start3A_168 = arith.constant 2 : i32
    %dma_start3A_169 = arith.constant 0 : i32
    %dma_start3A_170 = arith.constant 0 : i32
    %dma_start3A_171 = tpu.memref_slice %arg6[%dma_start3A_167, %dma_start3A_169, %dma_start3A_170] : memref<4x8x2048xf32, #tpu.memory_space<vmem>> -> memref<1x8x2048xf32, #tpu.memory_space<vmem>>
    %dma_start3A_172 = tpu.memref_squeeze %dma_start3A_171 : memref<1x8x2048xf32, #tpu.memory_space<vmem>> -> memref<8x2048xf32, #tpu.memory_space<vmem>>
    %dma_start3A_173 = arith.constant 4096 : i32
    %dma_start3A_174 = tpu.memref_slice %arg4[%add3A_166, %dma_start3A_173] : memref<16384x8192xf32, #tpu.memory_space<hbm>> -> memref<8x2048xf32, #tpu.memory_space<hbm>>
    %dma_start3A_175 = tpu.memref_slice %arg8[%dma_start3A_168] : memref<4x!tpu.dma_semaphore, #tpu.memory_space<semaphore_mem>> -> memref<1x!tpu.dma_semaphore, #tpu.memory_space<semaphore_mem>>
    %dma_start3A_176 = tpu.memref_squeeze %dma_start3A_175 : memref<1x!tpu.dma_semaphore, #tpu.memory_space<semaphore_mem>> -> memref<!tpu.dma_semaphore, #tpu.memory_space<semaphore_mem>>
    %dma_start3A_177 = arith.constant 4096 : i32
    %dma_start3A_178 = tpu.memref_slice %arg4[%add3A_166, %dma_start3A_177] : memref<16384x8192xf32, #tpu.memory_space<hbm>> -> memref<8x2048xf32, #tpu.memory_space<hbm>>
    %dma_start3A_179 = arith.constant 0 : i32
    %dma_start3A_180 = arith.constant 0 : i32
    %dma_start3A_181 = tpu.memref_slice %arg6[%dma_start3A_167, %dma_start3A_179, %dma_start3A_180] : memref<4x8x2048xf32, #tpu.memory_space<vmem>> -> memref<1x8x2048xf32, #tpu.memory_space<vmem>>
    %dma_start3A_182 = tpu.memref_squeeze %dma_start3A_181 : memref<1x8x2048xf32, #tpu.memory_space<vmem>> -> memref<8x2048xf32, #tpu.memory_space<vmem>>
    tpu.enqueue_dma source(%dma_start3A_182 : memref<8x2048xf32, #tpu.memory_space<vmem>>) target(%dma_start3A_178 : memref<8x2048xf32, #tpu.memory_space<hbm>>) target_semaphore(%dma_start3A_176 : memref<!tpu.dma_semaphore, #tpu.memory_space<semaphore_mem>>)
    %add3A_183 = arith.constant 504 : i32
    %add3A_184 = arith.addi %mul3A_2, %add3A_183 : i32
    %dma_wait3A_185 = arith.constant 1 : i32
    %dma_wait3A_186 = arith.constant 1 : i32
    %dma_wait3A_187 = arith.constant 0 : i32
    %dma_wait3A_188 = arith.constant 0 : i32
    %dma_wait3A_189 = tpu.memref_slice %arg6[%dma_wait3A_185, %dma_wait3A_187, %dma_wait3A_188] : memref<4x8x2048xf32, #tpu.memory_space<vmem>> -> memref<1x8x2048xf32, #tpu.memory_space<vmem>>
    %dma_wait3A_190 = tpu.memref_squeeze %dma_wait3A_189 : memref<1x8x2048xf32, #tpu.memory_space<vmem>> -> memref<8x2048xf32, #tpu.memory_space<vmem>>
    %dma_wait3A_191 = arith.constant 2048 : i32
    %dma_wait3A_192 = tpu.memref_slice %arg4[%add3A_184, %dma_wait3A_191] : memref<16384x8192xf32, #tpu.memory_space<hbm>> -> memref<8x2048xf32, #tpu.memory_space<hbm>>
    %dma_wait3A_193 = tpu.memref_slice %arg8[%dma_wait3A_186] : memref<4x!tpu.dma_semaphore, #tpu.memory_space<semaphore_mem>> -> memref<1x!tpu.dma_semaphore, #tpu.memory_space<semaphore_mem>>
    %dma_wait3A_194 = tpu.memref_squeeze %dma_wait3A_193 : memref<1x!tpu.dma_semaphore, #tpu.memory_space<semaphore_mem>> -> memref<!tpu.dma_semaphore, #tpu.memory_space<semaphore_mem>>
    %dma_wait3A_195 = arith.constant 2048 : i32
    %dma_wait3A_196 = tpu.memref_slice %arg4[%add3A_184, %dma_wait3A_195] : memref<16384x8192xf32, #tpu.memory_space<hbm>> -> memref<8x2048xf32, #tpu.memory_space<hbm>>
    %dma_wait3A_197 = arith.constant 0 : i32
    %dma_wait3A_198 = arith.constant 0 : i32
    %dma_wait3A_199 = tpu.memref_slice %arg6[%dma_wait3A_185, %dma_wait3A_197, %dma_wait3A_198] : memref<4x8x2048xf32, #tpu.memory_space<vmem>> -> memref<1x8x2048xf32, #tpu.memory_space<vmem>>
    %dma_wait3A_200 = tpu.memref_squeeze %dma_wait3A_199 : memref<1x8x2048xf32, #tpu.memory_space<vmem>> -> memref<8x2048xf32, #tpu.memory_space<vmem>>
    tpu.wait_dma2 semaphore(%dma_wait3A_194 : memref<!tpu.dma_semaphore, #tpu.memory_space<semaphore_mem>>) src(%dma_wait3A_200 : memref<8x2048xf32, #tpu.memory_space<vmem>>) dst(%dma_wait3A_196 : memref<8x2048xf32, #tpu.memory_space<hbm>>)
    %dma_wait3A_201 = arith.constant 63 : i32
    %dma_wait3A_202 = arith.constant 3 : i32
    %dma_wait3A_203 = arith.constant 3 : i32
    %dma_wait3A_204 = arith.constant 0 : i32
    %dma_wait3A_205 = arith.constant 0 : i32
    %dma_wait3A_206 = tpu.memref_slice %arg6[%dma_wait3A_202, %dma_wait3A_204, %dma_wait3A_205] : memref<4x8x2048xf32, #tpu.memory_space<vmem>> -> memref<1x8x2048xf32, #tpu.memory_space<vmem>>
    %dma_wait3A_207 = tpu.memref_squeeze %dma_wait3A_206 : memref<1x8x2048xf32, #tpu.memory_space<vmem>> -> memref<8x2048xf32, #tpu.memory_space<vmem>>
    %dma_wait3A_208 = arith.constant 0 : i32
    %dma_wait3A_209 = tpu.memref_slice %arg5[%dma_wait3A_201, %dma_wait3A_208] : memref<64x8xi32, #tpu.memory_space<vmem>> -> memref<1x8xi32, #tpu.memory_space<vmem>>
    %dma_wait3A_210 = tpu.memref_squeeze %dma_wait3A_209 : memref<1x8xi32, #tpu.memory_space<vmem>> -> memref<8xi32, #tpu.memory_space<vmem>>
    %dma_wait3A_211 = arith.constant 0 : i32
    %dma_wait3A_212 = arith.constant 6144 : i32
    %dma_wait3A_213 = tpu.memref_slice %arg3[%dma_wait3A_211, %dma_wait3A_212] : memref<8192x8192xf32, #tpu.memory_space<hbm>> -> memref<8192x2048xf32, #tpu.memory_space<hbm>>
    %dma_wait3A_214 = tpu.memref_slice %arg7[%dma_wait3A_203] : memref<4x!tpu.dma_semaphore, #tpu.memory_space<semaphore_mem>> -> memref<1x!tpu.dma_semaphore, #tpu.memory_space<semaphore_mem>>
    %dma_wait3A_215 = tpu.memref_squeeze %dma_wait3A_214 : memref<1x!tpu.dma_semaphore, #tpu.memory_space<semaphore_mem>> -> memref<!tpu.dma_semaphore, #tpu.memory_space<semaphore_mem>>
    tpu.wait_indirect_dma semaphore(%dma_wait3A_215 : memref<!tpu.dma_semaphore, #tpu.memory_space<semaphore_mem>>) src(%dma_wait3A_213 : memref<8192x2048xf32, #tpu.memory_space<hbm>>) dst(%dma_wait3A_207 : memref<8x2048xf32, #tpu.memory_space<vmem>>)
    %add3A_216 = arith.constant 504 : i32
    %add3A_217 = arith.addi %mul3A_2, %add3A_216 : i32
    %dma_start3A_218 = arith.constant 3 : i32
    %dma_start3A_219 = arith.constant 3 : i32
    %dma_start3A_220 = arith.constant 0 : i32
    %dma_start3A_221 = arith.constant 0 : i32
    %dma_start3A_222 = tpu.memref_slice %arg6[%dma_start3A_218, %dma_start3A_220, %dma_start3A_221] : memref<4x8x2048xf32, #tpu.memory_space<vmem>> -> memref<1x8x2048xf32, #tpu.memory_space<vmem>>
    %dma_start3A_223 = tpu.memref_squeeze %dma_start3A_222 : memref<1x8x2048xf32, #tpu.memory_space<vmem>> -> memref<8x2048xf32, #tpu.memory_space<vmem>>
    %dma_start3A_224 = arith.constant 6144 : i32
    %dma_start3A_225 = tpu.memref_slice %arg4[%add3A_217, %dma_start3A_224] : memref<16384x8192xf32, #tpu.memory_space<hbm>> -> memref<8x2048xf32, #tpu.memory_space<hbm>>
    %dma_start3A_226 = tpu.memref_slice %arg8[%dma_start3A_219] : memref<4x!tpu.dma_semaphore, #tpu.memory_space<semaphore_mem>> -> memref<1x!tpu.dma_semaphore, #tpu.memory_space<semaphore_mem>>
    %dma_start3A_227 = tpu.memref_squeeze %dma_start3A_226 : memref<1x!tpu.dma_semaphore, #tpu.memory_space<semaphore_mem>> -> memref<!tpu.dma_semaphore, #tpu.memory_space<semaphore_mem>>
    %dma_start3A_228 = arith.constant 6144 : i32
    %dma_start3A_229 = tpu.memref_slice %arg4[%add3A_217, %dma_start3A_228] : memref<16384x8192xf32, #tpu.memory_space<hbm>> -> memref<8x2048xf32, #tpu.memory_space<hbm>>
    %dma_start3A_230 = arith.constant 0 : i32
    %dma_start3A_231 = arith.constant 0 : i32
    %dma_start3A_232 = tpu.memref_slice %arg6[%dma_start3A_218, %dma_start3A_230, %dma_start3A_231] : memref<4x8x2048xf32, #tpu.memory_space<vmem>> -> memref<1x8x2048xf32, #tpu.memory_space<vmem>>
    %dma_start3A_233 = tpu.memref_squeeze %dma_start3A_232 : memref<1x8x2048xf32, #tpu.memory_space<vmem>> -> memref<8x2048xf32, #tpu.memory_space<vmem>>
    tpu.enqueue_dma source(%dma_start3A_233 : memref<8x2048xf32, #tpu.memory_space<vmem>>) target(%dma_start3A_229 : memref<8x2048xf32, #tpu.memory_space<hbm>>) target_semaphore(%dma_start3A_227 : memref<!tpu.dma_semaphore, #tpu.memory_space<semaphore_mem>>)
    %add3A_234 = arith.constant 504 : i32
    %add3A_235 = arith.addi %mul3A_2, %add3A_234 : i32
    %dma_wait3A_236 = arith.constant 2 : i32
    %dma_wait3A_237 = arith.constant 2 : i32
    %dma_wait3A_238 = arith.constant 0 : i32
    %dma_wait3A_239 = arith.constant 0 : i32
    %dma_wait3A_240 = tpu.memref_slice %arg6[%dma_wait3A_236, %dma_wait3A_238, %dma_wait3A_239] : memref<4x8x2048xf32, #tpu.memory_space<vmem>> -> memref<1x8x2048xf32, #tpu.memory_space<vmem>>
    %dma_wait3A_241 = tpu.memref_squeeze %dma_wait3A_240 : memref<1x8x2048xf32, #tpu.memory_space<vmem>> -> memref<8x2048xf32, #tpu.memory_space<vmem>>
    %dma_wait3A_242 = arith.constant 4096 : i32
    %dma_wait3A_243 = tpu.memref_slice %arg4[%add3A_235, %dma_wait3A_242] : memref<16384x8192xf32, #tpu.memory_space<hbm>> -> memref<8x2048xf32, #tpu.memory_space<hbm>>
    %dma_wait3A_244 = tpu.memref_slice %arg8[%dma_wait3A_237] : memref<4x!tpu.dma_semaphore, #tpu.memory_space<semaphore_mem>> -> memref<1x!tpu.dma_semaphore, #tpu.memory_space<semaphore_mem>>
    %dma_wait3A_245 = tpu.memref_squeeze %dma_wait3A_244 : memref<1x!tpu.dma_semaphore, #tpu.memory_space<semaphore_mem>> -> memref<!tpu.dma_semaphore, #tpu.memory_space<semaphore_mem>>
    %dma_wait3A_246 = arith.constant 4096 : i32
    %dma_wait3A_247 = tpu.memref_slice %arg4[%add3A_235, %dma_wait3A_246] : memref<16384x8192xf32, #tpu.memory_space<hbm>> -> memref<8x2048xf32, #tpu.memory_space<hbm>>
    %dma_wait3A_248 = arith.constant 0 : i32
    %dma_wait3A_249 = arith.constant 0 : i32
    %dma_wait3A_250 = tpu.memref_slice %arg6[%dma_wait3A_236, %dma_wait3A_248, %dma_wait3A_249] : memref<4x8x2048xf32, #tpu.memory_space<vmem>> -> memref<1x8x2048xf32, #tpu.memory_space<vmem>>
    %dma_wait3A_251 = tpu.memref_squeeze %dma_wait3A_250 : memref<1x8x2048xf32, #tpu.memory_space<vmem>> -> memref<8x2048xf32, #tpu.memory_space<vmem>>
    tpu.wait_dma2 semaphore(%dma_wait3A_245 : memref<!tpu.dma_semaphore, #tpu.memory_space<semaphore_mem>>) src(%dma_wait3A_251 : memref<8x2048xf32, #tpu.memory_space<vmem>>) dst(%dma_wait3A_247 : memref<8x2048xf32, #tpu.memory_space<hbm>>)
    %add3A_252 = arith.constant 504 : i32
    %add3A_253 = arith.addi %mul3A_2, %add3A_252 : i32
    %dma_wait3A_254 = arith.constant 3 : i32
    %dma_wait3A_255 = arith.constant 3 : i32
    %dma_wait3A_256 = arith.constant 0 : i32
    %dma_wait3A_257 = arith.constant 0 : i32
    %dma_wait3A_258 = tpu.memref_slice %arg6[%dma_wait3A_254, %dma_wait3A_256, %dma_wait3A_257] : memref<4x8x2048xf32, #tpu.memory_space<vmem>> -> memref<1x8x2048xf32, #tpu.memory_space<vmem>>
    %dma_wait3A_259 = tpu.memref_squeeze %dma_wait3A_258 : memref<1x8x2048xf32, #tpu.memory_space<vmem>> -> memref<8x2048xf32, #tpu.memory_space<vmem>>
    %dma_wait3A_260 = arith.constant 6144 : i32
    %dma_wait3A_261 = tpu.memref_slice %arg4[%add3A_253, %dma_wait3A_260] : memref<16384x8192xf32, #tpu.memory_space<hbm>> -> memref<8x2048xf32, #tpu.memory_space<hbm>>
    %dma_wait3A_262 = tpu.memref_slice %arg8[%dma_wait3A_255] : memref<4x!tpu.dma_semaphore, #tpu.memory_space<semaphore_mem>> -> memref<1x!tpu.dma_semaphore, #tpu.memory_space<semaphore_mem>>
    %dma_wait3A_263 = tpu.memref_squeeze %dma_wait3A_262 : memref<1x!tpu.dma_semaphore, #tpu.memory_space<semaphore_mem>> -> memref<!tpu.dma_semaphore, #tpu.memory_space<semaphore_mem>>
    %dma_wait3A_264 = arith.constant 6144 : i32
    %dma_wait3A_265 = tpu.memref_slice %arg4[%add3A_253, %dma_wait3A_264] : memref<16384x8192xf32, #tpu.memory_space<hbm>> -> memref<8x2048xf32, #tpu.memory_space<hbm>>
    %dma_wait3A_266 = arith.constant 0 : i32
    %dma_wait3A_267 = arith.constant 0 : i32
    %dma_wait3A_268 = tpu.memref_slice %arg6[%dma_wait3A_254, %dma_wait3A_266, %dma_wait3A_267] : memref<4x8x2048xf32, #tpu.memory_space<vmem>> -> memref<1x8x2048xf32, #tpu.memory_space<vmem>>
    %dma_wait3A_269 = tpu.memref_squeeze %dma_wait3A_268 : memref<1x8x2048xf32, #tpu.memory_space<vmem>> -> memref<8x2048xf32, #tpu.memory_space<vmem>>
    tpu.wait_dma2 semaphore(%dma_wait3A_263 : memref<!tpu.dma_semaphore, #tpu.memory_space<semaphore_mem>>) src(%dma_wait3A_269 : memref<8x2048xf32, #tpu.memory_space<vmem>>) dst(%dma_wait3A_265 : memref<8x2048xf32, #tpu.memory_space<hbm>>)
    return
  }
}

</mosaic_0001>

<sc_bundles>
// kernel: _gather.3.cloned.1.call-start
scs
__scs_entry_jumppad:
0x0: {  	(pc) =	sbr.rel $0x88, $3  }
0x1: {  	(tag) =	ssettag $0x0;
	lr =	simm.s32 $0x1  }
0x2: {  	[smem:$0x3F9F] =	sst lr;
	_ =	strace $0xD0000000  }
0x3: {  	_ = 	snop  }
0x4: {  	_ = 	snop  }
0x5: {  	_ = 	snop  }
0x6: {  	_ = 	snop  }
0x7: {  	_ = 	snop  }
__scs_overlays_trampoline_lowered:
0x8: {  	[smem:$0x3FAE] =	sst s0  }
0x9: {  	[smem:$0x3FAF] =	sst s1  }
0xa: {  	[smem:$0x3FB0] =	sst s2  }
0xb: {  	[smem:$0x3FB1] =	sst s3  }
0xc: {  	[smem:$0x3FB2] =	sst s4  }
0xd: {  	[smem:$0x3FB3] =	sst s5  }
0xe: {  	[smem:$0x3FB4] =	sst s6  }
0xf: {  	[smem:$0x3FB5] =	sst s7  }
0x10: {  	[smem:$0x3FB6] =	sst s8  }
0x11: {  	[smem:$0x3FB7] =	sst s9;
	s0 =	simm.s32 @!p0 $0x0  }
0x12: {  	s1 =	sld [smem:$0x3F9D];
	s0 =	simm.s32 @p0 $0x1  }
0x13: {  	[smem:$0x3FB8] =	sst s0;
	s0 =	simm.s32 @!p1 $0x0  }
0x14: {  	s2 =	sld [smem:$0x3F9C];
	s0 =	simm.s32 @p1 $0x1  }
0x15: {  	[smem:$0x3FB9] =	sst s0;
	s0 =	simm.s32 @!p2 $0x0  }
0x16: {  	s3 =	sld [smem:$0x3FDB];
	s0 =	simm.s32 @p2 $0x1  }
0x17: {  	s4 =	simm.s32 $0x1BF5;
	[smem:$0x3FBB] =	sst s0  }
0x18: {  	s0 =	sld [smem:$0x3F9E];
	_ =	swait.ge [sflag:s4], $0x0  }
0x19: {  	s7 =	sld [smem:$0x3F9F]  }
0x1a: {  	s8 =	sadd.s32 $0xFFFFE003, lr  }
0x1b: {  	s9 =	sadd.s32 $0xFFFFFEF7, lr;
	s5 =	simm.s32 $0xFFFFFFFF;
	p2 =	slt.u32 s8, $0xFFFFF086  }
0x1c: {  	p1 =	slt.u32 s9, $0xF7A;
	s5 =	simm.s32 @!p2 $0x0  }
0x1d: {  	s5 =	simm.s32 @p1 $0x1;
	p0 =	seq.s32 s7, s2  }
0x1e: {  	s7 =	smul.u32 @!p0 $0xF7A, s2;
	p2 =	seq.s32 @!p0 s5, $0x0  }
0x1f: {  	s9 =	smul.u32 $0xF7A, s1;
	s8 =	simm.s32 @!p0 $0x1BF5;
	p2 =	por !p2, p0  }
0x20: {  	[sflag:s8] =	ssyncset.s32 @!p0 $0xFFFFF086;
	s6 =	sadd.s32 @!p0 s3, s7;
	s7 =	simm.s32 @!p0 $0x108  }
0x21: {  	s3 =	sadd.s32 s3, s9;
	s6 =	sadd.s32 @!p0 $0x88, s6;
	s7 =	simm.s32 @p2 $0x1082  }
0x22: {  	[simem:s7], [sflag:s8] =	dma.local @!p0 [hbm:s6], $0xF7A  }
0x23: {  	s9 =	sor.u32 $0xD0000000, s2;
	s6 =	simm.s32 $0x108;
	_ =	swait.ge @!p0 [sflag:s8], $0x0  }
0x24: {  	s3 =	sadd.s32 $0x88, s3;
	s6 =	simm.s32 @!p1 $0x1082;
	[sflag:s4] =	ssyncset.s32 $0xFFFFF086  }
0x25: {  	[simem:s6], [sflag:s4] =	dma.local [hbm:s3], $0xF7A  }
0x26: {  	[smem:$0x3F9F] =	sst s1;
	(tag) =	ssettag s2;
	_ =	strace s9  }
0x27: {  	s1 =	sld [smem:$0x3FAF]  }
0x28: {  	s2 =	sld [smem:$0x3FB0]  }
0x29: {  	s4 =	sld [smem:$0x3FB2]  }
0x2a: {  	p0 =	seq.s32 s5, $0x0;
	s5 =	sld [smem:$0x3FB3]  }
0x2b: {  	s6 =	sld [smem:$0x3FB4]  }
0x2c: {  	s7 =	sld [smem:$0x3FB5]  }
0x2d: {  	s3 =	simm.s32 $0x108;
	s8 =	sld [smem:$0x3FB6]  }
0x2e: {  	s3 =	simm.s32 @!p0 $0x1082;
	s9 =	sld [smem:$0x3FB7]  }
0x2f: {  	lr =	sadd.s32 s0, s3;
	s0 =	sld [smem:$0x3FAE]  }
0x30: {  	s3 =	sld [smem:$0x3FB1]  }
0x31: {  	[smem:$0x3FBA] =	sst s10  }
0x32: {  	s10 =	sld [smem:$0x3FB8];
	_ =	sdelay $0x3  }
0x33: {  	p0 =	seq.s32 s10, $0x1;
	s10 =	sld [smem:$0x3FBA];
	_ =	sdelay $0x3  }
0x34: {  	[smem:$0x3FBA] =	sst s10  }
0x35: {  	s10 =	sld [smem:$0x3FB9];
	_ =	sdelay $0x3  }
0x36: {  	p1 =	seq.s32 s10, $0x1;
	s10 =	sld [smem:$0x3FBA];
	_ =	sdelay $0x3  }
0x37: {  	[smem:$0x3FBA] =	sst s10  }
0x38: {  	s10 =	sld [smem:$0x3FBB]  }
0x39: {  	_ = 	snop;
	(pc) =	sbr.ind lr, $3  }
0x3a: {  	_ = 	snop  }
0x3b: {  	_ = 	snop  }
0x3c: {  	p2 =	seq.s32 s10, $0x1;
	s10 =	sld [smem:$0x3FBA]  }
0x3d: {  	_ =	shalt  }
0x3e: {  	_ =	shalt  }
0x3f: {  	_ =	shalt  }
0x40: {  	_ =	shalt  }
0x41: {  	_ =	shalt  }
0x42: {  	_ =	shalt  }
0x43: {  	_ =	shalt  }
0x44: {  	_ =	shalt  }
0x45: {  	_ =	shalt  }
0x46: {  	_ =	shalt  }
0x47: {  	_ =	shalt  }
0x48: {  	_ =	shalt  }
0x49: {  	_ =	shalt  }
0x4a: {  	_ =	shalt  }
0x4b: {  	_ =	shalt  }
0x4c: {  	_ =	shalt  }
0x4d: {  	_ =	shalt  }
0x4e: {  	_ =	shalt  }
0x4f: {  	_ =	shalt  }
0x50: {  	_ =	shalt  }
0x51: {  	_ =	shalt  }
0x52: {  	_ =	shalt  }
0x53: {  	_ =	shalt  }
0x54: {  	_ =	shalt  }
0x55: {  	_ =	shalt  }
0x56: {  	_ =	shalt  }
0x57: {  	_ =	shalt  }
0x58: {  	_ =	shalt  }
0x59: {  	_ =	shalt  }
0x5a: {  	_ =	shalt  }
0x5b: {  	_ =	shalt  }
0x5c: {  	_ =	shalt  }
0x5d: {  	_ =	shalt  }
0x5e: {  	_ =	shalt  }
0x5f: {  	_ =	shalt  }
0x60: {  	_ =	shalt  }
0x61: {  	_ =	shalt  }
0x62: {  	_ =	shalt  }
0x63: {  	_ =	shalt  }
0x64: {  	_ =	shalt  }
0x65: {  	_ =	shalt  }
0x66: {  	_ =	shalt  }
0x67: {  	_ =	shalt  }
0x68: {  	_ =	shalt  }
0x69: {  	_ =	shalt  }
0x6a: {  	_ =	shalt  }
0x6b: {  	_ =	shalt  }
0x6c: {  	_ =	shalt  }
0x6d: {  	_ =	shalt  }
0x6e: {  	_ =	shalt  }
0x6f: {  	_ =	shalt  }
0x70: {  	_ =	shalt  }
0x71: {  	_ =	shalt  }
0x72: {  	_ =	shalt  }
0x73: {  	_ =	shalt  }
0x74: {  	_ =	shalt  }
0x75: {  	_ =	shalt  }
0x76: {  	_ =	shalt  }
0x77: {  	_ =	shalt  }
0x78: {  	_ =	shalt  }
0x79: {  	_ =	shalt  }
0x7a: {  	_ =	shalt  }
0x7b: {  	_ =	shalt  }
0x7c: {  	_ =	shalt  }
0x7d: {  	_ =	shalt  }
0x7e: {  	_ =	shalt  }
0x7f: {  	_ =	shalt  }
0x80: {  	_ =	shalt  }
0x81: {  	_ =	shalt  }
0x82: {  	_ =	shalt  }
0x83: {  	_ =	shalt  }
0x84: {  	_ =	shalt  }
0x85: {  	_ =	shalt  }
0x86: {  	_ =	shalt  }
0x87: {  	_ =	shalt  }
.Lfunc_end0:
.L_simem_size_0:
called_computation_lowered:
.L_overlay_start_0:
0x88: {  	s2 =	sld [smem:$0x3FD9]  }
0x89: {  	s3 =	sld [smem:$0x3FFE];
	_ =	sdelay $0x1  }
0x8a: {  	s1 =	srdreg.scid  }
0x8b: {  	s0 =	sand.u32 $0x1, s1  }
0x8c: {  	s17 =	sshll.u32 s0, $0xA;
	s2 =	sadd.s32 s3, s2  }
0x8d: {  	s2 =	sadd.s32 s2, s17  }
0x8e: {  	[smem:$0x3FC6] =	sst s2  }
0x8f: {  	_ = 	snop  }
0x90: {  	s2 =	sld [smem:$0x3FC8]  }
0x91: {  	s18 =	sld [smem:$0x3FD0];
	(tm) =	ssettm $0x1  }
0x92: {  	s4 =	sld [smem:$0x3FFB];
	_ =	sdelay $0x3  }
0x93: {  	_ =	strace s4  }
0x94: {  	s4 =	sld [smem:$0x3FFC];
	_ =	sdelay $0x3  }
0x95: {  	_ =	strace s4  }
0x96: {  	s4 =	sld [smem:$0x3FFD];
	_ =	sdelay $0x3  }
0x97: {  	_ =	strace s4  }
0x98: {  	_ =	strace $0x8FFFFFFF  }
0x99: {  	s19 =	sld [smem:$0x3FDB];
	_ =	sdelay $0x1  }
0x9a: {  	s5 =	simm.s32 $_scs_section_size  }
0x9b: {  	s6 =	simm.s32 $_size__tile_overlayer_lowered;
	s7 =	simm.s32 $_tile_overlayer_lowered  }
0x9c: {  	s22 =	simm.s32 $0x1BFF;
	s21 =	sshll.u32 s7, $0x1;
	s4 =	sadd.s32 s5, s19  }
0x9d: {  	s8 =	simm.s32 $0x0;
	s20 =	sshll.u32 s6, $0x1;
	s6 =	sadd.s32 s21, s4  }
0x9e: {  	[timem:s8], [sflag:s22] =	dma.local [hbm:s6], s20  }
0x9f: {  	_ =	swait.ge [sflag:s22], s20  }
0xa0: {  	s5 =	ssub.s32 $0x0, s20;
	[sflag:s22] =	ssyncset.done $0x0  }
0xa1: {  	[sflag:s22] =	ssyncadd.s32 s5;
	_ =	sdelay $0x1  }
0xa2: {  	s23 =	simm.s32 $0x1B8B  }
0xa3: {  	_ =	swait.ge [sflag:s23], $0x1  }
0xa4: {  	[sflag:s23] =	ssyncset.done $0x0  }
0xa5: {  	s25 =	simm.s32 $0x1B8E;
	s24 =	sld [smem:$0x3FFE];
	[sflag:s23] =	ssyncadd.s32 $0xFFFFFFFF  }
0xa6: {  	s26 =	simm.s32 $execute0_lowered;
	[smem:$0x3FD2] =	sst s25  }
0xa7: {  	s6 =	sshll.u32 s26, $0x1;
	_ =	strace $0x80000046;
	[dreg:$0x1] =	wrdreg $0xFFFFFFFF  }
0xa8: {  	s28 =	simm.s32 $_size_execute0_lowered;
	s4 =	sadd.s32 s4, s6;
	[dreg:$0x0] =	wrdreg $0x0  }
0xa9: {  	s6 =	sshll.u32 s28, $0x1;
	[dreg:$0x2] =	wrdreg s4  }
0xaa: {  	[dreg:$0x3] =	wrdreg s6  }
0xab: {  	[dreg:$0x4] =	wrdreg $0xC0  }
0xac: {  	_ =	task [dreg:s8], $0x5FFFF  }
0xad: {  	[dreg:$0x1] =	wrdreg $0xFFFFFFFF  }
0xae: {  	[dreg:$0x0] =	wrdreg $0x60  }
0xaf: {  	[dreg:$0x2] =	wrdreg s24  }
0xb0: {  	[dreg:$0x3] =	wrdreg s2  }
0xb1: {  	[dreg:$0x4] =	wrdreg s18  }
0xb2: {  	[dreg:$0x5] =	wrdreg $0x9  }
0xb3: {  	_ =	task.clear_ibuf [dreg:s8], $0x6FFFF;
	_ =	strace $0x90000046  }
0xb4: {  	s29 =	simm.s32 $0x9;
	_ =	strace $0x80000048  }
0xb5: {  	_ =	swait.ge [sflag:s29], $0x1  }
0xb6: {  	[sflag:s29] =	ssyncadd.s32 $0xFFFFFFFF  }
0xb7: {  	_ =	strace $0x90000048  }
0xb8: {  	_ =	sfence  }
0xb9: {  	s30 =	sld [smem:$0x0];
	_ =	sdelay $0x2  }
0xba: {  	s31 =	sshll.u32 s1, $0xD;
	s1 =	sshrl.u32 s1, $0x2  }
0xbb: {  	s3 =	sand.u32 $0x4000, s31;
	s1 =	sadd.s32 s1, s30  }
0xbc: {  	s0 =	sor.u32 s3, s0;
	s1 =	sshll.u32 s1, $0x11  }
0xbd: {  	s0 =	sor.u32 s1, s0  }
0xbe: {  	s0 =	sadd.s32 $0x8F2B, s0  }
0xbf: {  	[sflag:s0] =	ssyncadd.remote.s32 $0x1  }
0xc0: {  	_ =	sfence.sel $0xFFFF  }
0xc1: {  	[dreg:$0x0] =	wrdreg $0xFFFFFFFF;
	(pc) =	sbr.abs _section_cstart, $3  }
0xc2: {  	[dreg:$0x1] =	wrdreg $0xFFFFFFFF  }
0xc3: {  	_ =	task.clear_ibuf [dreg:s8], $0x2FFFF;
	_ =	strace $0x9FFFFFFF  }
0xc4: {  	(tm) =	ssettm $0x7FFFFFFF  }
0xc5: {  	_ =	shalt  }
tec
execute0_lowered:
.L_overlay_start_1:
0x0: {  	(tag) =	ssettag $0x1  }
0x1: {  	s0 =	rddreg [dreg:$0x0]  }
0x2: {  	s8 =	rddreg [dreg:$0x1];
	s1 =	srdreg.scid  }
0x3: {  	s7 =	stileid.u32;
	s2 =	rddreg [dreg:$0x2];
	s15 =	simm.s32 $0x6000  }
0x4: {  	s13 =	simm.s32 $0x7800;
	s30 =	simm.s32 $0x8000;
	s31 =	simm.s32 $0x8800  }
0x5: {  	s28 =	simm.s32 $0xE000;
	s1 =	sand.u32 $0x1, s1;
	s3 =	sshll.u32 s7, $0x1  }
0x6: {  	s9 =	sadd.s32 $0x200, s8;
	s12 =	sadd.s32 $0x300, s8;
	s10 =	sadd.s32 $0x400, s8  }
0x7: {  	s11 =	sadd.s32 $0x500, s8;
	s24 =	sadd.s32 $0x600, s8;
	s14 =	sadd.s32 $0x700, s8  }
0x8: {  	s16 =	sadd.s32 $0x800, s8;
	s4 =	sor.u32 s1, s3;
	s3 =	simm.s32 $0x0  }
0x9: {  	s29 =	sadd.s32 $0x1000, s8;
	s19 =	sshll.u32 s7, $0x14;
	[smem:$0x7FF] =	sst s3  }
0xa: {  	s7 =	simm.s32 $0x4000;
	_ =	strace $0x80000047;
	[dreg:$0xc] =	wrdreg s16  }
0xb: {  	s6 =	ssub.s32 $0x2, s1;
	s21 =	sadd.s32 s19, s2;
	[dreg:$0x11] =	wrdreg s9  }
0xc: {  	s1 =	sshll.u32 s1, $0x13;
	s19 =	simm.s32 $0x4800;
	[dreg:$0x12] =	wrdreg s10  }
0xd: {  	s5 =	sshll.u32 s4, $0xA;
	s17 =	sshrl.u32 s6, $0x1;
	[dreg:$0x13] =	wrdreg s12  }
0xe: {  	s18 =	sshll.u32 s4, $0x13;
	s4 =	simm.s32 $0x3000;
	[dreg:$0x18] =	wrdreg s11  }
0xf: {  	s0 =	sadd.s32 s5, s0;
	s20 =	sadd.s32 s2, s18;
	[dreg:$0x1c] =	wrdreg s24  }
0x10: {  	s5 =	ssub.s32 s6, s17;
	s6 =	sadd.s32 $0x100, s8;
	[dreg:$0x6] =	wrdreg s20  }
0x11: {  	s17 =	sadd.s32 $0x1800, s8;
	s0 =	sadd.s32 $0x400, s0;
	[dreg:$0xd] =	wrdreg s6  }
0x12: {  	s18 =	simm.s32 $0xA000;
	s22 =	sadd.s32 $0x7E800, s20;
	[dreg:$0x5] =	wrdreg s0  }
0x13: {  	s2 =	simm.s32 $0xA800;
	s23 =	sadd.s32 $0x7F000, s20;
	[dreg:$0x7] =	wrdreg s22  }
0x14: {  	s25 =	sadd.s32 $0x7F800, s20;
	s26 =	smax.u32 s5, $0x1;
	[dreg:$0x8] =	wrdreg s23  }
0x15: {  	s5 =	simm.s32 $0x3800;
	s20 =	simm.s32 $0x6800;
	[dreg:$0x9] =	wrdreg s25  }
0x16: {  	v0 =	vlaneseq.u32;
	s0 =	sadd.s32 s1, s21;
	[dreg:$0xa] =	wrdreg s26;
	s1 =	simm.s32 $0x2800  }
0x17: {  	v1 =	vshrl.u32 v0, $0x3;
	s21 =	simm.s32 $0x5000;
	s25 =	simm.s32 $0x5800;
	s26 =	simm.s32 $0x7000  }
0x18: {  	vm0 =	vmmov $0xffff;
	v0 =	vand.u32 $0x7, v0;
	v1 =	vmul.u32 $0x8, v1;
	s22 =	simm.s32 $0xE800;
	s23 =	simm.s32 $0x0;
	[dreg:$0x4] =	wrdreg s0  }
.LBB2_1:
0x19: {  	s0 =	rddreg [dreg:$0x5]  }
0x1a: {  	[tilespmem:s3], [sflag:$0x9] =	stream.linear.gather [hbm4b:s0+s3], $0x2000, $0x38;
	[tilespmem:$0x12000] =	vst v63  }
0x1b: {  	[dreg:$0xb] =	wrdreg s23;
	s0 =	simm.s32 $0x9  }
0x1c: {  	_ =	swait.ge [sflag:s0], $0x2000  }
0x1d: {  	[sflag:s0] =	ssyncset.done $0x0  }
0x1e: {  	[sflag:s0] =	ssyncadd.s32 $0xFFFFE000  }
0x1f: {  	v2 =	vld.msk [tilespmem:$0x0], $0xff;
	_ =	sdelay $0x4  }
0x20: {  	v3 =	vshll.u32 v2, $0x6  }
0x21: {  	v2 =	vand.u32 $0x7, v2;
	v3 =	vand.u32 $0xFFFFFE00, v3  }
0x22: {  	v2 =	vor.u32 v2, v3  }
0x23: {  	v2 =	vperm.xlane v2, v0;
	_ =	sdelay $0x1  }
0x24: {  	v2 =	vadd.s32 v1, v2;
	_ =	sdelay $0x3  }
0x25: {  	s23 =	simm.s32 $0x2000  }
0x26: {  	[tilespmem:s23], [sflag:$0x1] =	stream.indirect_vreg.gather [hbm4b:s8+s3], $0x80, v2, vm0, $0xb8;
	[tilespmem:$0x12000] =	vst v63  }
0x27: {  	_ = 	snop  }
0x28: {  	[tilespmem:s1], [sflag:$0x1] =	stream.indirect_vreg.gather [hbm4b:s6+s3], $0x80, v2, vm0, $0xb8;
	[tilespmem:$0x12000] =	vst v63  }
0x29: {  	_ = 	snop  }
0x2a: {  	[tilespmem:s4], [sflag:$0x1] =	stream.indirect_vreg.gather [hbm4b:s9+s3], $0x80, v2, vm0, $0xb8;
	[tilespmem:$0x12000] =	vst v63  }
0x2b: {  	_ = 	snop  }
0x2c: {  	[tilespmem:s5], [sflag:$0x1] =	stream.indirect_vreg.gather [hbm4b:s12+s3], $0x80, v2, vm0, $0xb8;
	[tilespmem:$0x12000] =	vst v63  }
0x2d: {  	_ = 	snop  }
0x2e: {  	[tilespmem:s7], [sflag:$0x1] =	stream.indirect_vreg.gather [hbm4b:s10+s3], $0x80, v2, vm0, $0xb8;
	[tilespmem:$0x12000] =	vst v63  }
0x2f: {  	_ = 	snop  }
0x30: {  	[tilespmem:s19], [sflag:$0x1] =	stream.indirect_vreg.gather [hbm4b:s11+s3], $0x80, v2, vm0, $0xb8;
	[tilespmem:$0x12000] =	vst v63  }
0x31: {  	_ = 	snop  }
0x32: {  	[tilespmem:s21], [sflag:$0x1] =	stream.indirect_vreg.gather [hbm4b:s24+s3], $0x80, v2, vm0, $0xb8;
	[tilespmem:$0x12000] =	vst v63  }
0x33: {  	_ = 	snop  }
0x34: {  	[tilespmem:s25], [sflag:$0x1] =	stream.indirect_vreg.gather [hbm4b:s14+s3], $0x80, v2, vm0, $0xb8;
	[tilespmem:$0x12000] =	vst v63  }
0x35: {  	v2 =	vld.msk [tilespmem:$0x0], $0xff;
	_ =	sdelay $0x4  }
0x36: {  	v3 =	vshll.u32 v2, $0x6  }
0x37: {  	v2 =	vand.u32 $0x7, v2;
	v3 =	vand.u32 $0xFFFFFE00, v3  }
0x38: {  	v2 =	vor.u32 v2, v3  }
0x39: {  	v2 =	vperm.xlane v2, v0;
	_ =	sdelay $0x1  }
0x3a: {  	v2 =	vadd.s32 v1, v2;
	_ =	sdelay $0x4  }
0x3b: {  	[tilespmem:s15], [sflag:$0x2] =	stream.indirect_vreg.gather [hbm4b:s16+s3], $0x80, v2, vm0, $0xb8;
	[tilespmem:$0x12000] =	vst v63  }
0x3c: {  	s12 =	sadd.s32 $0x100, s16  }
0x3d: {  	[tilespmem:s20], [sflag:$0x2] =	stream.indirect_vreg.gather [hbm4b:s12+s3], $0x80, v2, vm0, $0xb8;
	[tilespmem:$0x12000] =	vst v63  }
0x3e: {  	s15 =	sadd.s32 $0x200, s16  }
0x3f: {  	[tilespmem:s26], [sflag:$0x2] =	stream.indirect_vreg.gather [hbm4b:s15+s3], $0x80, v2, vm0, $0xb8;
	[tilespmem:$0x12000] =	vst v63  }
0x40: {  	s19 =	sadd.s32 $0x300, s16  }
0x41: {  	[tilespmem:s13], [sflag:$0x2] =	stream.indirect_vreg.gather [hbm4b:s19+s3], $0x80, v2, vm0, $0xb8;
	[tilespmem:$0x12000] =	vst v63  }
0x42: {  	s20 =	sadd.s32 $0x400, s16  }
0x43: {  	[tilespmem:s30], [sflag:$0x2] =	stream.indirect_vreg.gather [hbm4b:s20+s3], $0x80, v2, vm0, $0xb8;
	[tilespmem:$0x12000] =	vst v63  }
0x44: {  	s21 =	sadd.s32 $0x500, s16  }
0x45: {  	[tilespmem:s31], [sflag:$0x2] =	stream.indirect_vreg.gather [hbm4b:s21+s3], $0x80, v2, vm0, $0xb8;
	[tilespmem:$0x12000] =	vst v63  }
0x46: {  	s23 =	sadd.s32 $0x600, s16;
	s24 =	simm.s32 $0x9000  }
0x47: {  	[tilespmem:s24], [sflag:$0x2] =	stream.indirect_vreg.gather [hbm4b:s23+s3], $0x80, v2, vm0, $0xb8;
	[tilespmem:$0x12000] =	vst v63  }
0x48: {  	s25 =	sadd.s32 $0x700, s16;
	s26 =	simm.s32 $0x9800  }
0x49: {  	[tilespmem:s26], [sflag:$0x2] =	stream.indirect_vreg.gather [hbm4b:s25+s3], $0x80, v2, vm0, $0xb8;
	[tilespmem:$0x12000] =	vst v63  }
0x4a: {  	v2 =	vld.msk [tilespmem:$0x0], $0xff;
	_ =	sdelay $0x4  }
0x4b: {  	v3 =	vshll.u32 v2, $0x6  }
0x4c: {  	v2 =	vand.u32 $0x7, v2;
	v3 =	vand.u32 $0xFFFFFE00, v3  }
0x4d: {  	v2 =	vor.u32 v2, v3  }
0x4e: {  	v2 =	vperm.xlane v2, v0;
	_ =	sdelay $0x1  }
0x4f: {  	v2 =	vadd.s32 v1, v2;
	_ =	sdelay $0x4  }
0x50: {  	[tilespmem:s18], [sflag:$0x3] =	stream.indirect_vreg.gather [hbm4b:s29+s3], $0x80, v2, vm0, $0xb8;
	[tilespmem:$0x12000] =	vst v63  }
0x51: {  	s4 =	sadd.s32 $0x100, s29  }
0x52: {  	[tilespmem:s2], [sflag:$0x3] =	stream.indirect_vreg.gather [hbm4b:s4+s3], $0x80, v2, vm0, $0xb8;
	[tilespmem:$0x12000] =	vst v63  }
0x53: {  	s6 =	simm.s32 $0xB000;
	s5 =	sadd.s32 $0x200, s29  }
0x54: {  	[tilespmem:s6], [sflag:$0x3] =	stream.indirect_vreg.gather [hbm4b:s5+s3], $0x80, v2, vm0, $0xb8;
	[tilespmem:$0x12000] =	vst v63  }
0x55: {  	s9 =	simm.s32 $0xB800;
	s7 =	sadd.s32 $0x300, s29  }
0x56: {  	[tilespmem:s9], [sflag:$0x3] =	stream.indirect_vreg.gather [hbm4b:s7+s3], $0x80, v2, vm0, $0xb8;
	[tilespmem:$0x12000] =	vst v63  }
0x57: {  	s10 =	sadd.s32 $0x400, s29;
	s11 =	simm.s32 $0xC000  }
0x58: {  	[tilespmem:s11], [sflag:$0x3] =	stream.indirect_vreg.gather [hbm4b:s10+s3], $0x80, v2, vm0, $0xb8;
	[tilespmem:$0x12000] =	vst v63  }
0x59: {  	[dreg:$0xe] =	wrdreg s12;
	s12 =	sadd.s32 $0x500, s29;
	s13 =	simm.s32 $0xC800  }
0x5a: {  	[tilespmem:s13], [sflag:$0x3] =	stream.indirect_vreg.gather [hbm4b:s12+s3], $0x80, v2, vm0, $0xb8;
	[tilespmem:$0x12000] =	vst v63  }
0x5b: {  	[dreg:$0xf] =	wrdreg s15;
	s16 =	simm.s32 $0xD000;
	s15 =	sadd.s32 $0x600, s29  }
0x5c: {  	[tilespmem:s16], [sflag:$0x3] =	stream.indirect_vreg.gather [hbm4b:s15+s3], $0x80, v2, vm0, $0xb8;
	[tilespmem:$0x12000] =	vst v63  }
0x5d: {  	[dreg:$0x1d] =	wrdreg s10;
	s18 =	simm.s32 $0xD800;
	s10 =	sadd.s32 $0x700, s29  }
0x5e: {  	[tilespmem:s18], [sflag:$0x3] =	stream.indirect_vreg.gather [hbm4b:s10+s3], $0x80, v2, vm0, $0xb8;
	[tilespmem:$0x12000] =	vst v63  }
0x5f: {  	v2 =	vld.msk [tilespmem:$0x0], $0xff;
	_ =	sdelay $0x4  }
0x60: {  	v3 =	vshll.u32 v2, $0x6  }
0x61: {  	v2 =	vand.u32 $0x7, v2;
	v3 =	vand.u32 $0xFFFFFE00, v3  }
0x62: {  	v2 =	vor.u32 v2, v3  }
0x63: {  	[dreg:$0x16] =	wrdreg s23;
	v2 =	vperm.xlane v2, v0  }
0x64: {  	[dreg:$0x19] =	wrdreg s4  }
0x65: {  	[dreg:$0x1a] =	wrdreg s5;
	v2 =	vadd.s32 v1, v2  }
0x66: {  	[dreg:$0x1b] =	wrdreg s7  }
0x67: {  	[dreg:$0x10] =	wrdreg s19  }
0x68: {  	s0 =	smov.u32 s14;
	[dreg:$0x15] =	wrdreg s21  }
0x69: {  	s8 =	simm.s32 $0x2000;
	s1 =	simm.s32 $0x5;
	[dreg:$0x17] =	wrdreg s25  }
0x6a: {  	[tilespmem:s28], [sflag:$0x4] =	stream.indirect_vreg.gather [hbm4b:s17+s3], $0x80, v2, vm0, $0xb8;
	[tilespmem:$0x12000] =	vst v63  }
0x6b: {  	s14 =	simm.s32 $0x80;
	[dreg:$0x14] =	wrdreg s20;
	s11 =	sadd.s32 $0x100, s17  }
0x6c: {  	[tilespmem:s22], [sflag:$0x4] =	stream.indirect_vreg.gather [hbm4b:s11+s3], $0x80, v2, vm0, $0xb8;
	[tilespmem:$0x12000] =	vst v63  }
0x6d: {  	[dreg:$0x1e] =	wrdreg s12;
	s19 =	simm.s32 $0xF000;
	s21 =	sadd.s32 $0x200, s17  }
0x6e: {  	[tilespmem:s19], [sflag:$0x4] =	stream.indirect_vreg.gather [hbm4b:s21+s3], $0x80, v2, vm0, $0xb8;
	[tilespmem:$0x12000] =	vst v63  }
0x6f: {  	[dreg:$0x1f] =	wrdreg s15;
	s30 =	sadd.s32 $0x300, s17;
	s20 =	simm.s32 $0xF800  }
0x70: {  	[tilespmem:s20], [sflag:$0x4] =	stream.indirect_vreg.gather [hbm4b:s30+s3], $0x80, v2, vm0, $0xb8;
	[tilespmem:$0x12000] =	vst v63  }
0x71: {  	s31 =	simm.s32 $0x8;
	s22 =	simm.s32 $0x10000;
	s19 =	sadd.s32 $0x400, s17  }
0x72: {  	[tilespmem:s22], [sflag:$0x4] =	stream.indirect_vreg.gather [hbm4b:s19+s3], $0x80, v2, vm0, $0xb8;
	[tilespmem:$0x12000] =	vst v63  }
0x73: {  	s23 =	simm.s32 $0x10800;
	s24 =	simm.s32 $0x11000;
	s26 =	sadd.s32 $0x500, s17  }
0x74: {  	[tilespmem:s23], [sflag:$0x4] =	stream.indirect_vreg.gather [hbm4b:s26+s3], $0x80, v2, vm0, $0xb8;
	[tilespmem:$0x12000] =	vst v63  }
0x75: {  	s25 =	simm.s32 $0x11800;
	s4 =	simm.s32 $0x2000;
	s12 =	sadd.s32 $0x600, s17  }
0x76: {  	[tilespmem:s24], [sflag:$0x4] =	stream.indirect_vreg.gather [hbm4b:s12+s3], $0x80, v2, vm0, $0xb8;
	[tilespmem:$0x12000] =	vst v63  }
0x77: {  	s5 =	simm.s32 $0x3;
	s13 =	sadd.s32 $0x700, s17;
	s23 =	simm.s32 $0x1  }
0x78: {  	[tilespmem:s25], [sflag:$0x4] =	stream.indirect_vreg.gather [hbm4b:s13+s3], $0x80, v2, vm0, $0xb8;
	[tilespmem:$0x12000] =	vst v63  }
0x79: {  	s6 =	simm.s32 $0x4;
	s7 =	simm.s32 $0x7;
	_ =	swait.ge [sflag:s23], $0x4000  }
0x7a: {  	s16 =	simm.s32 $0x2;
	s24 =	simm.s32 $0x6;
	[sflag:s23] =	ssyncset.done $0x0  }
0x7b: {  	s25 =	simm.s32 $0x0;
	s28 =	rddreg [dreg:$0x6];
	[sflag:s23] =	ssyncadd.s32 $0xFFFFC000  }
0x7c: {  	[hbm4b:s28+s3] =	stream.linear.scatter [tilespmem:s8], [sflag:$0x5], $0x4000, $0x38;
	[tilespmem:$0x12000] =	vst v63  }
.LBB2_2:
0x7d: {  	_ =	swait.ge [sflag:s16], $0x4000  }
0x7e: {  	s18 =	smov.u32 s17;
	s28 =	rddreg [dreg:$0x4]  }
0x7f: {  	s17 =	smov.u32 s29;
	[sflag:s16] =	ssyncset.done $0x0;
	s28 =	sadd.s32 s25, s28  }
0x80: {  	s20 =	simm.s32 $0x6000;
	[sflag:s16] =	ssyncadd.s32 $0xFFFFC000;
	s29 =	sadd.s32 $0x800, s28  }
0x81: {  	[hbm4b:s29+s3] =	stream.linear.scatter [tilespmem:s20], [sflag:$0x6], $0x4000, $0x38;
	[tilespmem:$0x12000] =	vst v63  }
0x82: {  	_ =	swait.ge [sflag:s1], $0x4000  }
0x83: {  	[sflag:s1] =	ssyncset.done $0x0  }
0x84: {  	[sflag:s1] =	ssyncadd.s32 $0xFFFFC000  }
0x85: {  	v2 =	vld.msk [tilespmem:s14+$0x0], $0xff;
	_ =	sdelay $0x4  }
0x86: {  	v3 =	vshll.u32 v2, $0x6  }
0x87: {  	v2 =	vand.u32 $0x7, v2;
	v3 =	vand.u32 $0xFFFFFE00, v3  }
0x88: {  	v2 =	vor.u32 v2, v3  }
0x89: {  	v2 =	vperm.xlane v2, v0;
	_ =	sdelay $0x1  }
0x8a: {  	v2 =	vadd.s32 v1, v2;
	_ =	sdelay $0x3  }
0x8b: {  	s2 =	rddreg [dreg:$0x1]  }
0x8c: {  	[tilespmem:s4], [sflag:$0x1] =	stream.indirect_vreg.gather [hbm4b:s2+s3], $0x80, v2, vm0, $0xb8;
	[tilespmem:$0x12000] =	vst v63  }
0x8d: {  	s8 =	simm.s32 $0x2800;
	s9 =	rddreg [dreg:$0xd]  }
0x8e: {  	[tilespmem:s8], [sflag:$0x1] =	stream.indirect_vreg.gather [hbm4b:s9+s3], $0x80, v2, vm0, $0xb8;
	[tilespmem:$0x12000] =	vst v63  }
0x8f: {  	s22 =	simm.s32 $0x3000;
	s15 =	rddreg [dreg:$0x11]  }
0x90: {  	[tilespmem:s22], [sflag:$0x1] =	stream.indirect_vreg.gather [hbm4b:s15+s3], $0x80, v2, vm0, $0xb8;
	[tilespmem:$0x12000] =	vst v63  }
0x91: {  	s8 =	rddreg [dreg:$0x13];
	s9 =	simm.s32 $0x3800  }
0x92: {  	[tilespmem:s9], [sflag:$0x1] =	stream.indirect_vreg.gather [hbm4b:s8+s3], $0x80, v2, vm0, $0xb8;
	[tilespmem:$0x12000] =	vst v63  }
0x93: {  	s15 =	rddreg [dreg:$0x12];
	s22 =	simm.s32 $0x4000  }
0x94: {  	[tilespmem:s22], [sflag:$0x1] =	stream.indirect_vreg.gather [hbm4b:s15+s3], $0x80, v2, vm0, $0xb8;
	[tilespmem:$0x12000] =	vst v63  }
0x95: {  	s8 =	rddreg [dreg:$0x18];
	s9 =	simm.s32 $0x4800  }
0x96: {  	[tilespmem:s9], [sflag:$0x1] =	stream.indirect_vreg.gather [hbm4b:s8+s3], $0x80, v2, vm0, $0xb8;
	[tilespmem:$0x12000] =	vst v63  }
0x97: {  	s15 =	rddreg [dreg:$0x1c];
	s22 =	simm.s32 $0x5000  }
0x98: {  	[tilespmem:s22], [sflag:$0x1] =	stream.indirect_vreg.gather [hbm4b:s15+s3], $0x80, v2, vm0, $0xb8;
	[tilespmem:$0x12000] =	vst v63  }
0x99: {  	s8 =	simm.s32 $0x5800  }
0x9a: {  	[tilespmem:s8], [sflag:$0x1] =	stream.indirect_vreg.gather [hbm4b:s0+s3], $0x80, v2, vm0, $0xb8;
	[tilespmem:$0x12000] =	vst v63  }
0x9b: {  	_ =	swait.ge [sflag:s5], $0x4000  }
0x9c: {  	[sflag:s5] =	ssyncset.done $0x0  }
0x9d: {  	s29 =	sadd.s32 $0x1000, s28;
	s2 =	simm.s32 $0xA000;
	[sflag:s5] =	ssyncadd.s32 $0xFFFFC000  }
0x9e: {  	[hbm4b:s29+s3] =	stream.linear.scatter [tilespmem:s2], [sflag:$0x7], $0x4000, $0x38;
	[tilespmem:$0x12000] =	vst v63  }
0x9f: {  	_ =	swait.ge [sflag:s24], $0x4000  }
0xa0: {  	[sflag:s24] =	ssyncset.done $0x0  }
0xa1: {  	[sflag:s24] =	ssyncadd.s32 $0xFFFFC000  }
0xa2: {  	v2 =	vld.msk [tilespmem:s14+$0x0], $0xff;
	_ =	sdelay $0x4  }
0xa3: {  	v3 =	vshll.u32 v2, $0x6  }
0xa4: {  	v2 =	vand.u32 $0x7, v2;
	v3 =	vand.u32 $0xFFFFFE00, v3  }
0xa5: {  	v2 =	vor.u32 v2, v3  }
0xa6: {  	v2 =	vperm.xlane v2, v0;
	_ =	sdelay $0x1  }
0xa7: {  	v2 =	vadd.s32 v1, v2;
	_ =	sdelay $0x3  }
0xa8: {  	s22 =	rddreg [dreg:$0xc]  }
0xa9: {  	[tilespmem:s20], [sflag:$0x2] =	stream.indirect_vreg.gather [hbm4b:s22+s3], $0x80, v2, vm0, $0xb8;
	[tilespmem:$0x12000] =	vst v63  }
0xaa: {  	s9 =	rddreg [dreg:$0xe];
	s20 =	simm.s32 $0x6800  }
0xab: {  	[tilespmem:s20], [sflag:$0x2] =	stream.indirect_vreg.gather [hbm4b:s9+s3], $0x80, v2, vm0, $0xb8;
	[tilespmem:$0x12000] =	vst v63  }
0xac: {  	s8 =	rddreg [dreg:$0xf];
	s9 =	simm.s32 $0x7000  }
0xad: {  	[tilespmem:s9], [sflag:$0x2] =	stream.indirect_vreg.gather [hbm4b:s8+s3], $0x80, v2, vm0, $0xb8;
	[tilespmem:$0x12000] =	vst v63  }
0xae: {  	s8 =	rddreg [dreg:$0x10];
	s9 =	simm.s32 $0x7800  }
0xaf: {  	[tilespmem:s9], [sflag:$0x2] =	stream.indirect_vreg.gather [hbm4b:s8+s3], $0x80, v2, vm0, $0xb8;
	[tilespmem:$0x12000] =	vst v63  }
0xb0: {  	s8 =	rddreg [dreg:$0x14];
	s9 =	simm.s32 $0x8000  }
0xb1: {  	[tilespmem:s9], [sflag:$0x2] =	stream.indirect_vreg.gather [hbm4b:s8+s3], $0x80, v2, vm0, $0xb8;
	[tilespmem:$0x12000] =	vst v63  }
0xb2: {  	s8 =	rddreg [dreg:$0x15];
	s9 =	simm.s32 $0x8800  }
0xb3: {  	[tilespmem:s9], [sflag:$0x2] =	stream.indirect_vreg.gather [hbm4b:s8+s3], $0x80, v2, vm0, $0xb8;
	[tilespmem:$0x12000] =	vst v63  }
0xb4: {  	s29 =	simm.s32 $0x9000;
	s9 =	rddreg [dreg:$0x16]  }
0xb5: {  	[tilespmem:s29], [sflag:$0x2] =	stream.indirect_vreg.gather [hbm4b:s9+s3], $0x80, v2, vm0, $0xb8;
	[tilespmem:$0x12000] =	vst v63  }
0xb6: {  	s8 =	rddreg [dreg:$0x17];
	s29 =	simm.s32 $0x9800  }
0xb7: {  	[tilespmem:s29], [sflag:$0x2] =	stream.indirect_vreg.gather [hbm4b:s8+s3], $0x80, v2, vm0, $0xb8;
	[tilespmem:$0x12000] =	vst v63  }
0xb8: {  	_ =	swait.ge [sflag:s6], $0x4000  }
0xb9: {  	[sflag:s6] =	ssyncset.done $0x0  }
0xba: {  	s22 =	simm.s32 $0xE000;
	s29 =	sadd.s32 $0x1800, s28;
	[sflag:s6] =	ssyncadd.s32 $0xFFFFC000  }
0xbb: {  	[hbm4b:s29+s3] =	stream.linear.scatter [tilespmem:s22], [sflag:$0x8], $0x4000, $0x38;
	[tilespmem:$0x12000] =	vst v63  }
0xbc: {  	_ =	swait.ge [sflag:s7], $0x4000  }
0xbd: {  	[sflag:s7] =	ssyncset.done $0x0  }
0xbe: {  	[sflag:s7] =	ssyncadd.s32 $0xFFFFC000  }
0xbf: {  	v2 =	vld.msk [tilespmem:s14+$0x0], $0xff;
	_ =	sdelay $0x4  }
0xc0: {  	v3 =	vshll.u32 v2, $0x6  }
0xc1: {  	v2 =	vand.u32 $0x7, v2;
	v3 =	vand.u32 $0xFFFFFE00, v3  }
0xc2: {  	v2 =	vor.u32 v2, v3  }
0xc3: {  	v2 =	vperm.xlane v2, v0;
	_ =	sdelay $0x1  }
0xc4: {  	v2 =	vadd.s32 v1, v2;
	_ =	sdelay $0x3  }
0xc5: {  	s29 =	smov.u32 s17  }
0xc6: {  	[tilespmem:s2], [sflag:$0x3] =	stream.indirect_vreg.gather [hbm4b:s29+s3], $0x80, v2, vm0, $0xb8;
	[tilespmem:$0x12000] =	vst v63  }
0xc7: {  	s9 =	rddreg [dreg:$0x19];
	s2 =	simm.s32 $0xA800  }
0xc8: {  	[tilespmem:s2], [sflag:$0x3] =	stream.indirect_vreg.gather [hbm4b:s9+s3], $0x80, v2, vm0, $0xb8;
	[tilespmem:$0x12000] =	vst v63  }
0xc9: {  	s8 =	rddreg [dreg:$0x1a];
	s9 =	simm.s32 $0xB000  }
0xca: {  	[tilespmem:s9], [sflag:$0x3] =	stream.indirect_vreg.gather [hbm4b:s8+s3], $0x80, v2, vm0, $0xb8;
	[tilespmem:$0x12000] =	vst v63  }
0xcb: {  	s8 =	rddreg [dreg:$0x1b];
	s9 =	simm.s32 $0xB800  }
0xcc: {  	[tilespmem:s9], [sflag:$0x3] =	stream.indirect_vreg.gather [hbm4b:s8+s3], $0x80, v2, vm0, $0xb8;
	[tilespmem:$0x12000] =	vst v63  }
0xcd: {  	s8 =	rddreg [dreg:$0x1d];
	s9 =	simm.s32 $0xC000  }
0xce: {  	[tilespmem:s9], [sflag:$0x3] =	stream.indirect_vreg.gather [hbm4b:s8+s3], $0x80, v2, vm0, $0xb8;
	[tilespmem:$0x12000] =	vst v63  }
0xcf: {  	s8 =	rddreg [dreg:$0x1e];
	s9 =	simm.s32 $0xC800  }
0xd0: {  	[tilespmem:s9], [sflag:$0x3] =	stream.indirect_vreg.gather [hbm4b:s8+s3], $0x80, v2, vm0, $0xb8;
	[tilespmem:$0x12000] =	vst v63  }
0xd1: {  	s8 =	simm.s32 $0xD000;
	s9 =	rddreg [dreg:$0x1f]  }
0xd2: {  	[tilespmem:s8], [sflag:$0x3] =	stream.indirect_vreg.gather [hbm4b:s9+s3], $0x80, v2, vm0, $0xb8;
	[tilespmem:$0x12000] =	vst v63  }
0xd3: {  	s9 =	simm.s32 $0xD800  }
0xd4: {  	[tilespmem:s9], [sflag:$0x3] =	stream.indirect_vreg.gather [hbm4b:s10+s3], $0x80, v2, vm0, $0xb8;
	[tilespmem:$0x12000] =	vst v63  }
0xd5: {  	_ =	swait.ge [sflag:s23], $0x4000  }
0xd6: {  	[sflag:s23] =	ssyncset.done $0x0  }
0xd7: {  	s28 =	sadd.s32 $0x2000, s28;
	[sflag:s23] =	ssyncadd.s32 $0xFFFFC000  }
0xd8: {  	[hbm4b:s28+s3] =	stream.linear.scatter [tilespmem:s4], [sflag:$0x5], $0x4000, $0x38;
	[tilespmem:$0x12000] =	vst v63  }
0xd9: {  	_ =	swait.ge [sflag:s31], $0x4000  }
0xda: {  	[sflag:s31] =	ssyncset.done $0x0  }
0xdb: {  	[sflag:s31] =	ssyncadd.s32 $0xFFFFC000  }
0xdc: {  	v2 =	vld.msk [tilespmem:s14+$0x0], $0xff;
	_ =	sdelay $0x4  }
0xdd: {  	v3 =	vshll.u32 v2, $0x6  }
0xde: {  	v2 =	vand.u32 $0x7, v2;
	v3 =	vand.u32 $0xFFFFFE00, v3  }
0xdf: {  	v2 =	vor.u32 v2, v3  }
0xe0: {  	v2 =	vperm.xlane v2, v0;
	_ =	sdelay $0x1  }
0xe1: {  	v2 =	vadd.s32 v1, v2;
	_ =	sdelay $0x3  }
0xe2: {  	s17 =	smov.u32 s18  }
0xe3: {  	[tilespmem:s22], [sflag:$0x4] =	stream.indirect_vreg.gather [hbm4b:s17+s3], $0x80, v2, vm0, $0xb8;
	[tilespmem:$0x12000] =	vst v63  }
0xe4: {  	s22 =	simm.s32 $0xE800  }
0xe5: {  	[tilespmem:s22], [sflag:$0x4] =	stream.indirect_vreg.gather [hbm4b:s11+s3], $0x80, v2, vm0, $0xb8;
	[tilespmem:$0x12000] =	vst v63  }
0xe6: {  	s9 =	simm.s32 $0xF000  }
0xe7: {  	[tilespmem:s9], [sflag:$0x4] =	stream.indirect_vreg.gather [hbm4b:s21+s3], $0x80, v2, vm0, $0xb8;
	[tilespmem:$0x12000] =	vst v63  }
0xe8: {  	s9 =	simm.s32 $0xF800  }
0xe9: {  	[tilespmem:s9], [sflag:$0x4] =	stream.indirect_vreg.gather [hbm4b:s30+s3], $0x80, v2, vm0, $0xb8;
	[tilespmem:$0x12000] =	vst v63  }
0xea: {  	s9 =	simm.s32 $0x10000  }
0xeb: {  	[tilespmem:s9], [sflag:$0x4] =	stream.indirect_vreg.gather [hbm4b:s19+s3], $0x80, v2, vm0, $0xb8;
	[tilespmem:$0x12000] =	vst v63  }
0xec: {  	p0 =	sne.s32 s25, $0x7C000;
	s9 =	simm.s32 $0x10800  }
0xed: {  	[tilespmem:s9], [sflag:$0x4] =	stream.indirect_vreg.gather [hbm4b:s26+s3], $0x80, v2, vm0, $0xb8;
	[tilespmem:$0x12000] =	vst v63  }
.Ltmp0:
0xee: {  	s25 =	sadd.s32 $0x2000, s25;
	(pc) =	sbr.rel @p0 .LBB2_2-.Ltmp0, $4  }
0xef: {  	s15 =	simm.s32 $0x6000;
	s18 =	simm.s32 $0xA000;
	s9 =	simm.s32 $0x11000  }
0xf0: {  	[tilespmem:s9], [sflag:$0x4] =	stream.indirect_vreg.gather [hbm4b:s12+s3], $0x80, v2, vm0, $0xb8;
	[tilespmem:$0x12000] =	vst v63  }
0xf1: {  	s28 =	simm.s32 $0xE000;
	s14 =	sadd.s32 $0x80, s14;
	s9 =	simm.s32 $0x11800  }
0xf2: {  	[tilespmem:s9], [sflag:$0x4] =	stream.indirect_vreg.gather [hbm4b:s13+s3], $0x80, v2, vm0, $0xb8;
	[tilespmem:$0x12000] =	vst v63  }
0xf3: {  	_ =	swait.ge [sflag:s16], $0x4000  }
0xf4: {  	[sflag:s16] =	ssyncset.done $0x0  }
0xf5: {  	s4 =	rddreg [dreg:$0x7];
	[sflag:s16] =	ssyncadd.s32 $0xFFFFC000  }
0xf6: {  	[hbm4b:s4+s3] =	stream.linear.scatter [tilespmem:s15], [sflag:$0x6], $0x4000, $0x38;
	[tilespmem:$0x12000] =	vst v63  }
0xf7: {  	_ =	swait.ge [sflag:s1], $0x4000  }
0xf8: {  	[sflag:s1] =	ssyncset.done $0x0  }
0xf9: {  	[sflag:s1] =	ssyncadd.s32 $0xFFFFC000  }
0xfa: {  	_ =	swait.ge [sflag:s5], $0x4000  }
0xfb: {  	[sflag:s5] =	ssyncset.done $0x0  }
0xfc: {  	s23 =	rddreg [dreg:$0x8];
	[sflag:s5] =	ssyncadd.s32 $0xFFFFC000  }
0xfd: {  	[hbm4b:s23+s3] =	stream.linear.scatter [tilespmem:s18], [sflag:$0x7], $0x4000, $0x38;
	[tilespmem:$0x12000] =	vst v63  }
0xfe: {  	_ =	swait.ge [sflag:s24], $0x4000  }
0xff: {  	[sflag:s24] =	ssyncset.done $0x0  }
0x100: {  	[sflag:s24] =	ssyncadd.s32 $0xFFFFC000  }
0x101: {  	_ =	swait.ge [sflag:s6], $0x4000  }
0x102: {  	[sflag:s6] =	ssyncset.done $0x0  }
0x103: {  	s25 =	rddreg [dreg:$0x9];
	[sflag:s6] =	ssyncadd.s32 $0xFFFFC000  }
0x104: {  	[hbm4b:s25+s3] =	stream.linear.scatter [tilespmem:s28], [sflag:$0x8], $0x4000, $0x38;
	[tilespmem:$0x12000] =	vst v63  }
0x105: {  	_ =	swait.ge [sflag:s7], $0x4000  }
0x106: {  	[sflag:s7] =	ssyncset.done $0x0  }
0x107: {  	[sflag:s7] =	ssyncadd.s32 $0xFFFFC000  }
0x108: {  	_ =	swait.ge [sflag:s31], $0x4000  }
0x109: {  	s23 =	rddreg [dreg:$0xb]  }
0x10a: {  	s14 =	smov.u32 s0;
	s26 =	rddreg [dreg:$0xa]  }
0x10b: {  	s19 =	simm.s32 $0x4800;
	s21 =	simm.s32 $0x5000;
	s6 =	rddreg [dreg:$0xd]  }
0x10c: {  	s13 =	simm.s32 $0x7800;
	s9 =	rddreg [dreg:$0x11];
	s23 =	sadd.s32 $0x1, s23  }
0x10d: {  	s30 =	simm.s32 $0x8000;
	s12 =	rddreg [dreg:$0x13];
	p0 =	sne.s32 s23, s26  }
.Ltmp1:
0x10e: {  	s4 =	simm.s32 $0x3000;
	s10 =	rddreg [dreg:$0x12];
	(pc) =	sbr.rel @p0 .LBB2_1-.Ltmp1, $4  }
0x10f: {  	s1 =	simm.s32 $0x2800;
	s5 =	simm.s32 $0x3800;
	s11 =	rddreg [dreg:$0x18]  }
0x110: {  	s25 =	simm.s32 $0x5800;
	[sflag:s31] =	ssyncset.done $0x0;
	s24 =	rddreg [dreg:$0x1c]  }
0x111: {  	s7 =	simm.s32 $0x4000;
	s16 =	rddreg [dreg:$0xc];
	[sflag:s31] =	ssyncadd.s32 $0xFFFFC000  }
0x112: {  	s31 =	simm.s32 $0x8800;
	s8 =	rddreg [dreg:$0x1];
	s26 =	simm.s32 $0x7000  }
0x113: {  	_ =	sfence.sel $0x180000  }
0x114: {  	[bflag:$0x0] =	sbarrier.arrive $0xFFFF  }
0x115: {  	_ =	strace $0x90000047  }
0x116: {  	s0 =	stileid.u32;
	[bflag:$0x2] =	sbarrier.arrive $0xFFFF  }
0x117: {  	p0 =	sne.s32 s0, $0x0;
	s0 =	rddreg [dreg:$0x3]  }
0x118: {  	s0 =	sadd.s32 @!p0 $0x100000, s0  }
0x119: {  	[sflag:s0] =	ssyncadd.tile.s32 @!p0 $0x1;
	_ =	shalt  }
.Lfunc_end2:
_tile_overlayer_lowered:
.L_overlay_start_2:
0x11a: {  	(tag) =	ssettag $0x2  }
0x11b: {  	s0 =	rddreg [dreg:$0x0];
	s2 =	stileid.u32  }
0x11c: {  	s1 =	rddreg [dreg:$0x1];
	p0 =	sne.s32 s2, $0x0  }
0x11d: {  	s3 =	rddreg [dreg:$0x2];
	[bflag:$0x3] =	sbarrier.arrive $0xFFFF;
	s2 =	simm.s32 @!p0 $0x1C09  }
0x11e: {  	[timem:s3], [sflag:s2] =	dma.local @!p0 [hbm:s0], s1  }
0x11f: {  	s0 =	simm.s32 @!p0 $0x9  }
0x120: {  	_ =	swait.ge @!p0 [sflag:s0], s1  }
0x121: {  	s1 =	ssub.s32 @!p0 $0x0, s1;
	[sflag:s0] =	ssyncset.done @!p0 $0x0  }
0x122: {  	[sflag:s0] =	ssyncadd.s32 @!p0 s1  }
0x123: {  	[bflag:$0x3] =	sbarrier.arrive $0xFFFF  }
0x124: {  	_ =	shalt  }

</sc_bundles>
